<compile_context>
chip_gen: v7x
topology: tpu7x:2x2x1
jax: 0.10.2.dev20260603
libtpu: 0.0.44.dev20260713+nightly
codegen_flags: <defaults>
</compile_context>

<pallas_src>
import functools

import jax
import jax.numpy as jnp
from jax import lax
from jax.experimental import pallas as pl
from jax.experimental.pallas import tpu as pltpu
from jax.experimental.pallas import tpu_sc as plsc

N = 10000
E = 320000
F_IN = 128
H = 128
C = 64
H2 = H // 2
C2 = C // 2

ROWS_PER_SUB = N // 16
KG_H = 625
KG_C = 1000
DEG_KG = 1000
DEG_STEPS = E // (32 * DEG_KG)
DEG_W = 16

_BLK = 2000
_GRID = N // _BLK


def _sc_mesh():
    return plsc.VectorSubcoreMesh(core_axis_name="c", subcore_axis_name="s")


_SC_PARAMS = pltpu.CompilerParams(use_tc_tiling_on_sc=False)



@functools.partial(
    pl.kernel,
    out_type=jax.ShapeDtypeStruct((2, N, DEG_W), jnp.float32),
    mesh=_sc_mesh(),
    compiler_params=_SC_PARAMS,
    scratch_types=[
        pltpu.VMEM((DEG_STEPS, DEG_KG), jnp.int32),
        pltpu.VMEM((DEG_KG, DEG_W), jnp.float32),
        pltpu.VMEM_SHARED((N, DEG_W), jnp.float32),
    ],
)
def _deg_kernel(row_hbm, ones_hbm, zeros_hbm, out_hbm, row_v, ones_v, acc):
    c = lax.axis_index("c")
    s = lax.axis_index("s")
    start = (c * 16 + s) * DEG_STEPS
    pltpu.sync_copy(row_hbm.at[pl.ds(start, DEG_STEPS)], row_v)
    pltpu.sync_copy(ones_hbm, ones_v)
    pltpu.sync_copy(zeros_hbm, acc.at[pl.ds(s * ROWS_PER_SUB, ROWS_PER_SUB)])
    plsc.subcore_barrier()

    @pl.loop(0, DEG_STEPS)
    def _(j):
        pltpu.sync_copy(ones_v, acc.at[row_v.at[j]], add=True)

    plsc.subcore_barrier()
    pltpu.sync_copy(
        acc.at[pl.ds(s * ROWS_PER_SUB, ROWS_PER_SUB)],
        out_hbm.at[c, pl.ds(s * ROWS_PER_SUB, ROWS_PER_SUB)],
    )


def _make_spmm(F2, KG):
    nsteps = E // (16 * KG)

    @functools.partial(
        pl.kernel,
        out_type=jax.ShapeDtypeStruct((2, N, F2), jnp.float32),
        mesh=_sc_mesh(),
        compiler_params=_SC_PARAMS,
        scratch_types=[
            pltpu.VMEM((2, KG), jnp.int32),
            pltpu.VMEM((2, KG), jnp.int32),
            pltpu.VMEM((KG, F2), jnp.float32),
            pltpu.VMEM((KG, F2), jnp.float32),
            pltpu.SemaphoreType.DMA,
            pltpu.SemaphoreType.DMA,
            pltpu.SemaphoreType.DMA,
            pltpu.SemaphoreType.DMA,
            pltpu.VMEM_SHARED((N, F2), jnp.float32),
        ],
    )
    def spmm(s_hbm, idx_hbm, zeros_hbm, out_hbm,
             iv0, iv1, gb0, gb1, gsem0, gsem1, isem0, isem1, acc):
        c = lax.axis_index("c")
        s = lax.axis_index("s")
        base = s * nsteps
        pltpu.sync_copy(zeros_hbm, acc.at[pl.ds(s * ROWS_PER_SUB, ROWS_PER_SUB)])
        plsc.subcore_barrier()
        src = s_hbm.at[c]

        def wait_g(gb, gsem):
            pltpu.make_async_copy(src.at[pl.ds(0, KG)], gb, gsem).wait()

        def wait_i(iv, isem):
            pltpu.make_async_copy(idx_hbm.at[0], iv, isem).wait()

        pltpu.sync_copy(idx_hbm.at[base], iv0)
        pltpu.async_copy(src.at[iv0.at[1]], gb0, gsem0)
        pltpu.async_copy(idx_hbm.at[base + 1], iv1, isem1)

        @pl.loop(0, nsteps, step=2)
        def _(j):
            wait_g(gb0, gsem0)
            wait_i(iv1, isem1)
            pltpu.async_copy(src.at[iv1.at[1]], gb1, gsem1)
            pltpu.sync_copy(gb0, acc.at[iv0.at[0]], add=True)

            @pl.when(j + 2 < nsteps)
            def _():
                pltpu.async_copy(idx_hbm.at[base + j + 2], iv0, isem0)

            wait_g(gb1, gsem1)

            @pl.when(j + 2 < nsteps)
            def _():
                wait_i(iv0, isem0)
                pltpu.async_copy(src.at[iv0.at[1]], gb0, gsem0)

            pltpu.sync_copy(gb1, acc.at[iv1.at[0]], add=True)

            @pl.when(j + 3 < nsteps)
            def _():
                pltpu.async_copy(idx_hbm.at[base + j + 3], iv1, isem1)

        plsc.subcore_barrier()
        pltpu.sync_copy(
            acc.at[pl.ds(s * ROWS_PER_SUB, ROWS_PER_SUB)],
            out_hbm.at[c, pl.ds(s * ROWS_PER_SUB, ROWS_PER_SUB)],
        )

    return spmm


_spmm_h = _make_spmm(H2, KG_H)
_spmm_c = _make_spmm(C2, KG_C)



def _mm1_body(deg_ref, x_ref, w_ref, o_ref, dinv_ref):
    deg = deg_ref[0] + deg_ref[1] + 1.0
    dinv = lax.rsqrt(deg)
    s1 = jnp.dot(x_ref[...], w_ref[...], preferred_element_type=jnp.float32)
    s1p = s1 * dinv
    o_ref[0] = s1p[:, :H2]
    o_ref[1] = s1p[:, H2:]
    dinv_ref[...] = dinv


_mm1 = pl.pallas_call(
    _mm1_body,
    grid=(_GRID,),
    in_specs=[
        pl.BlockSpec((2, _BLK, 1), lambda i: (0, i, 0)),
        pl.BlockSpec((_BLK, F_IN), lambda i: (i, 0)),
        pl.BlockSpec((F_IN, H), lambda i: (0, 0)),
    ],
    out_specs=[
        pl.BlockSpec((2, _BLK, H2), lambda i: (0, i, 0)),
        pl.BlockSpec((_BLK, 1), lambda i: (i, 0)),
    ],
    out_shape=[
        jax.ShapeDtypeStruct((2, N, H2), jnp.float32),
        jax.ShapeDtypeStruct((N, 1), jnp.float32),
    ],
)


def _mid_body(dinv_ref, p_ref, s1p_ref, b1_ref, w2_ref, o_ref):
    dinv = dinv_ref[...]
    tot = jnp.concatenate(
        [p_ref[0] + s1p_ref[0], p_ref[1] + s1p_ref[1]], axis=-1)
    h = tot * dinv + b1_ref[...]
    h = jnp.maximum(h, 0.0)
    s2 = jnp.dot(h, w2_ref[...], preferred_element_type=jnp.float32)
    s2p = s2 * dinv
    o_ref[0] = s2p[:, :C2]
    o_ref[1] = s2p[:, C2:]


_mid = pl.pallas_call(
    _mid_body,
    grid=(_GRID,),
    in_specs=[
        pl.BlockSpec((_BLK, 1), lambda i: (i, 0)),
        pl.BlockSpec((2, _BLK, H2), lambda i: (0, i, 0)),
        pl.BlockSpec((2, _BLK, H2), lambda i: (0, i, 0)),
        pl.BlockSpec((1, H), lambda i: (0, 0)),
        pl.BlockSpec((H, C), lambda i: (0, 0)),
    ],
    out_specs=pl.BlockSpec((2, _BLK, C2), lambda i: (0, i, 0)),
    out_shape=jax.ShapeDtypeStruct((2, N, C2), jnp.float32),
)


def _final_body(dinv_ref, q_ref, s2p_ref, b2_ref, o_ref):
    dinv = dinv_ref[...]
    tot = jnp.concatenate(
        [q_ref[0] + s2p_ref[0], q_ref[1] + s2p_ref[1]], axis=-1)
    o_ref[...] = tot * dinv + b2_ref[...]


_final = pl.pallas_call(
    _final_body,
    grid=(_GRID,),
    in_specs=[
        pl.BlockSpec((_BLK, 1), lambda i: (i, 0)),
        pl.BlockSpec((2, _BLK, C2), lambda i: (0, i, 0)),
        pl.BlockSpec((2, _BLK, C2), lambda i: (0, i, 0)),
        pl.BlockSpec((1, C), lambda i: (0, 0)),
    ],
    out_specs=pl.BlockSpec((_BLK, C), lambda i: (i, 0)),
    out_shape=jax.ShapeDtypeStruct((N, C), jnp.float32),
)



def kernel(x, edge_index, W1, b1, W2, b2):
    row = edge_index[0]
    col = edge_index[1]
    row_deg = row.reshape(32 * DEG_STEPS, DEG_KG)
    idx_h = jnp.stack([row.reshape(-1, KG_H), col.reshape(-1, KG_H)], axis=1)
    idx_c = jnp.stack([row.reshape(-1, KG_C), col.reshape(-1, KG_C)], axis=1)

    ones_deg = jnp.ones((DEG_KG, DEG_W), jnp.float32)
    zeros_deg = jnp.zeros((ROWS_PER_SUB, DEG_W), jnp.float32)
    zeros_h = jnp.zeros((ROWS_PER_SUB, H2), jnp.float32)
    zeros_c = jnp.zeros((ROWS_PER_SUB, C2), jnp.float32)

    degp = _deg_kernel(row_deg, ones_deg, zeros_deg)
    s1p, dinv = _mm1(degp[:, :, :1], x, W1)
    p = _spmm_h(s1p, idx_h, zeros_h)
    s2p = _mid(dinv, p, s1p, b1.reshape(1, H), W2)
    q = _spmm_c(s2p, idx_c, zeros_c)
    out = _final(dinv, q, s2p, b2.reshape(1, C))
    return out

# --- scband reference (transcript-rebuilt; emitter-appended) ---
"""Pipeline reference for scband-gcn-69114613730235 (READ-ONLY COPY).

The authoritative reference and input builder live on the scoring server;
editing this copy changes nothing except your own understanding.
"""

import jax, jax.numpy as jnp
import numpy as np
import math

N = 10000      # n_nodes
E = 320000     # n_edges
F_IN = 128     # nfeats
H = 128        # nhids
C = 64         # nclasses


def setup_inputs(seed: int = 0) -> dict:
    key = jax.random.key(seed)
    k1, k2, k3, k4, k5, k6 = jax.random.split(key, 6)
    x = jax.random.normal(k1, (N, F_IN), dtype=jnp.float32)
    edge_index = jax.random.randint(k2, (2, E), 0, N, dtype=jnp.int32)
    stdv1 = 1.0 / math.sqrt(H)
    W1 = jax.random.uniform(k3, (F_IN, H), dtype=jnp.float32, minval=-stdv1, maxval=stdv1)
    b1 = jax.random.uniform(k4, (H,), dtype=jnp.float32, minval=-stdv1, maxval=stdv1)
    stdv2 = 1.0 / math.sqrt(C)
    W2 = jax.random.uniform(k5, (H, C), dtype=jnp.float32, minval=-stdv2, maxval=stdv2)
    b2 = jax.random.uniform(k6, (C,), dtype=jnp.float32, minval=-stdv2, maxval=stdv2)
    return {"x": x, "edge_index": edge_index, "W1": W1, "b1": b1, "W2": W2, "b2": b2}


def _normalized_adj_edges(edge_index):
    # A_hat = I + A ; adj = D^{-1/2} A_hat D^{-1/2}
    row = edge_index[0]
    col = edge_index[1]
    loops = jnp.arange(N, dtype=row.dtype)
    row_f = jnp.concatenate([row, loops])
    col_f = jnp.concatenate([col, loops])
    ones = jnp.ones(row_f.shape[0], dtype=jnp.float32)
    deg = jax.ops.segment_sum(ones, row_f, num_segments=N)
    dinv = jnp.power(deg, -0.5)
    vals = dinv[row_f] * dinv[col_f]
    return row_f, col_f, vals


def _spmm(row_f, col_f, vals, dense):
    # out[i] = sum_e vals[e] * dense[col[e]] for edges with row[e]==i
    gathered = vals[:, None] * jnp.take(dense, col_f, axis=0)
    return jax.ops.segment_sum(gathered, row_f, num_segments=N)


def reference(x, edge_index, W1, b1, W2, b2):
    row_f, col_f, vals = _normalized_adj_edges(edge_index)
    # conv1
    support1 = x @ W1
    h = _spmm(row_f, col_f, vals, support1) + b1
    h = jnp.maximum(h, 0.0)
    # dropout is identity in eval mode
    # conv2
    support2 = h @ W2
    out = _spmm(row_f, col_f, vals, support2) + b2
    return out

if __name__ == "__main__":
    import jax
    _d = setup_inputs()
    print(jax.jit(kernel)(*tuple(_d.values())))

</pallas_src>

<mosaic_0001>
#map = affine_map<(d0, d1) -> (0, 0)>
#map1 = affine_map<(d0, d1) -> (0, 0, 0)>
module attributes {stable_mosaic.version = 14 : i64} {
  func.func @_deg_kernel(%arg0: i32, %arg1: i32, %arg2: memref<320x1000xi32, #tpu.memory_space<hbm>>, %arg3: memref<1000x16xf32, #tpu.memory_space<hbm>>, %arg4: memref<625x16xf32, #tpu.memory_space<hbm>>, %arg5: memref<2x10000x16xf32, #tpu.memory_space<hbm>>, %arg6: memref<10x1000xi32, #tpu.memory_space<vmem>>, %arg7: memref<1000x16xf32, #tpu.memory_space<vmem>>, %arg8: memref<10000x16xf32, #tpu.memory_space<vmem_shared>>) attributes {dimension_semantics = [#tpu.dimension_semantics<core_parallel>, #tpu.dimension_semantics<subcore_parallel>], iteration_bounds = array<i64: 2, 16>, scalar_prefetch = 0 : i64, scratch_operands = 3 : i64, tpu.core_type = #tpu.core_type<sc_vector_subcore>, window_params = [{transform_indices = #map}, {transform_indices = #map}, {transform_indices = #map}, {transform_indices = #map1}]} {
    %mul3A = arith.constant 16 : i32
    %mul3A_0 = arith.muli %arg0, %mul3A : i32
    %add3A = arith.addi %mul3A_0, %arg1 : i32
    %mul3A_1 = arith.constant 10 : i32
    %mul3A_2 = arith.muli %add3A, %mul3A_1 : i32
    "tpu.region"() ({
      %run_scoped3A = tpu.sem_alloc : memref<!tpu.dma_semaphore, #tpu.memory_space<semaphore_mem>>
      %dma_start3A = arith.constant 0 : i32
      %dma_start3A_14 = tpu.memref_slice %arg2[%mul3A_2, %dma_start3A] : memref<320x1000xi32, #tpu.memory_space<hbm>> -> memref<10x1000xi32, #tpu.memory_space<hbm>>
      %dma_start3A_15 = arith.constant 0 : i32
      %dma_start3A_16 = tpu.memref_slice %arg2[%mul3A_2, %dma_start3A_15] : memref<320x1000xi32, #tpu.memory_space<hbm>> -> memref<10x1000xi32, #tpu.memory_space<hbm>>
      tpu.enqueue_dma source(%dma_start3A_16 : memref<10x1000xi32, #tpu.memory_space<hbm>>) target(%arg6 : memref<10x1000xi32, #tpu.memory_space<vmem>>) target_semaphore(%run_scoped3A : memref<!tpu.dma_semaphore, #tpu.memory_space<semaphore_mem>>)
      %dma_wait3A = arith.constant 0 : i32
      %dma_wait3A_17 = tpu.memref_slice %arg2[%mul3A_2, %dma_wait3A] : memref<320x1000xi32, #tpu.memory_space<hbm>> -> memref<10x1000xi32, #tpu.memory_space<hbm>>
      %dma_wait3A_18 = arith.constant 0 : i32
      %dma_wait3A_19 = tpu.memref_slice %arg2[%mul3A_2, %dma_wait3A_18] : memref<320x1000xi32, #tpu.memory_space<hbm>> -> memref<10x1000xi32, #tpu.memory_space<hbm>>
      tpu.wait_dma2 semaphore(%run_scoped3A : memref<!tpu.dma_semaphore, #tpu.memory_space<semaphore_mem>>) src(%dma_wait3A_19 : memref<10x1000xi32, #tpu.memory_space<hbm>>) dst(%arg6 : memref<10x1000xi32, #tpu.memory_space<vmem>>)
      tpu.yield
    }) : () -> ()
    "tpu.region"() ({
      %run_scoped3A = tpu.sem_alloc : memref<!tpu.dma_semaphore, #tpu.memory_space<semaphore_mem>>
      tpu.enqueue_dma source(%arg3 : memref<1000x16xf32, #tpu.memory_space<hbm>>) target(%arg7 : memref<1000x16xf32, #tpu.memory_space<vmem>>) target_semaphore(%run_scoped3A : memref<!tpu.dma_semaphore, #tpu.memory_space<semaphore_mem>>)
      tpu.wait_dma2 semaphore(%run_scoped3A : memref<!tpu.dma_semaphore, #tpu.memory_space<semaphore_mem>>) src(%arg3 : memref<1000x16xf32, #tpu.memory_space<hbm>>) dst(%arg7 : memref<1000x16xf32, #tpu.memory_space<vmem>>)
      tpu.yield
    }) : () -> ()
    %mul3A_3 = arith.constant 625 : i32
    %mul3A_4 = arith.muli %arg1, %mul3A_3 : i32
    "tpu.region"() ({
      %run_scoped3A = tpu.sem_alloc : memref<!tpu.dma_semaphore, #tpu.memory_space<semaphore_mem>>
      %dma_start3A = arith.constant 0 : i32
      %dma_start3A_14 = tpu.memref_slice %arg8[%mul3A_4, %dma_start3A] : memref<10000x16xf32, #tpu.memory_space<vmem_shared>> -> memref<625x16xf32, #tpu.memory_space<vmem_shared>>
      tpu.enqueue_dma source(%arg4 : memref<625x16xf32, #tpu.memory_space<hbm>>) target(%dma_start3A_14 : memref<625x16xf32, #tpu.memory_space<vmem_shared>>) target_semaphore(%run_scoped3A : memref<!tpu.dma_semaphore, #tpu.memory_space<semaphore_mem>>)
      %dma_wait3A = arith.constant 0 : i32
      %dma_wait3A_15 = tpu.memref_slice %arg8[%mul3A_4, %dma_wait3A] : memref<10000x16xf32, #tpu.memory_space<vmem_shared>> -> memref<625x16xf32, #tpu.memory_space<vmem_shared>>
      tpu.wait_dma2 semaphore(%run_scoped3A : memref<!tpu.dma_semaphore, #tpu.memory_space<semaphore_mem>>) src(%arg4 : memref<625x16xf32, #tpu.memory_space<hbm>>) dst(%dma_wait3A_15 : memref<625x16xf32, #tpu.memory_space<vmem_shared>>)
      tpu.yield
    }) : () -> ()
    %barrier3A = arith.constant 0 : index
    tpu.barrier barrier_id(%barrier3A)
    %scan3A = arith.constant 0 : i32
    %scan3A_5 = arith.constant 10 : i32
    %scan3A_6 = arith.addi %scan3A, %scan3A_5 : i32
    %scan3A_7 = arith.constant 1 : i32
    scf.for %scan3A_14 = %scan3A to %scan3A_6 step %scan3A_7  : i32 {
      %mul3A_15 = arith.constant 1 : i32
      %mul3A_16 = arith.muli %scan3A_14, %mul3A_15 : i32
      %add3A_17 = arith.constant 0 : i32
      %add3A_18 = arith.addi %add3A_17, %mul3A_16 : i32
      "tpu.region"() ({
        %run_scoped3A = tpu.sem_alloc : memref<!tpu.dma_semaphore, #tpu.memory_space<semaphore_mem>>
        %dma_start3A = arith.constant 0 : i32
        %dma_start3A_19 = tpu.memref_slice %arg6[%add3A_18, %dma_start3A] : memref<10x1000xi32, #tpu.memory_space<vmem>> -> memref<1x1000xi32, #tpu.memory_space<vmem>>
        %dma_start3A_20 = tpu.memref_squeeze %dma_start3A_19 : memref<1x1000xi32, #tpu.memory_space<vmem>> -> memref<1000xi32, #tpu.memory_space<vmem>>
        %dma_start3A_21 = arith.constant 0 : i32
        %dma_start3A_22 = arith.constant 0 : i32
        %dma_start3A_23 = tpu.memref_slice %arg8[%dma_start3A_21, %dma_start3A_22] : memref<10000x16xf32, #tpu.memory_space<vmem_shared>> -> memref<10000x16xf32, #tpu.memory_space<vmem_shared>>
        tpu.enqueue_indirect_dma source(%arg7 : memref<1000x16xf32, #tpu.memory_space<vmem>>) target(%dma_start3A_23 : memref<10000x16xf32, #tpu.memory_space<vmem_shared>>) offsets(%dma_start3A_20 : memref<1000xi32, #tpu.memory_space<vmem>>) semaphore(%run_scoped3A : memref<!tpu.dma_semaphore, #tpu.memory_space<semaphore_mem>>) {add = true}
        %dma_wait3A = arith.constant 0 : i32
        %dma_wait3A_24 = tpu.memref_slice %arg6[%add3A_18, %dma_wait3A] : memref<10x1000xi32, #tpu.memory_space<vmem>> -> memref<1x1000xi32, #tpu.memory_space<vmem>>
        %dma_wait3A_25 = tpu.memref_squeeze %dma_wait3A_24 : memref<1x1000xi32, #tpu.memory_space<vmem>> -> memref<1000xi32, #tpu.memory_space<vmem>>
        %dma_wait3A_26 = arith.constant 0 : i32
        %dma_wait3A_27 = arith.constant 0 : i32
        %dma_wait3A_28 = tpu.memref_slice %arg8[%dma_wait3A_26, %dma_wait3A_27] : memref<10000x16xf32, #tpu.memory_space<vmem_shared>> -> memref<10000x16xf32, #tpu.memory_space<vmem_shared>>
        tpu.wait_indirect_dma semaphore(%run_scoped3A : memref<!tpu.dma_semaphore, #tpu.memory_space<semaphore_mem>>) src(%arg7 : memref<1000x16xf32, #tpu.memory_space<vmem>>) dst(%dma_wait3A_28 : memref<10000x16xf32, #tpu.memory_space<vmem_shared>>)
        tpu.yield
      }) : () -> ()
    }
    %scan3A_8 = arith.constant 10 : i32
    %barrier3A_9 = arith.constant 0 : index
    tpu.barrier barrier_id(%barrier3A_9)
    %mul3A_10 = arith.constant 625 : i32
    %mul3A_11 = arith.muli %arg1, %mul3A_10 : i32
    %mul3A_12 = arith.constant 625 : i32
    %mul3A_13 = arith.muli %arg1, %mul3A_12 : i32
    "tpu.region"() ({
      %run_scoped3A = tpu.sem_alloc : memref<!tpu.dma_semaphore, #tpu.memory_space<semaphore_mem>>
      %dma_start3A = arith.constant 0 : i32
      %dma_start3A_14 = tpu.memref_slice %arg5[%arg0, %mul3A_13, %dma_start3A] : memref<2x10000x16xf32, #tpu.memory_space<hbm>> -> memref<1x625x16xf32, #tpu.memory_space<hbm>>
      %dma_start3A_15 = tpu.memref_squeeze %dma_start3A_14 : memref<1x625x16xf32, #tpu.memory_space<hbm>> -> memref<625x16xf32, #tpu.memory_space<hbm>>
      %dma_start3A_16 = arith.constant 0 : i32
      %dma_start3A_17 = tpu.memref_slice %arg8[%mul3A_11, %dma_start3A_16] : memref<10000x16xf32, #tpu.memory_space<vmem_shared>> -> memref<625x16xf32, #tpu.memory_space<vmem_shared>>
      tpu.enqueue_dma source(%dma_start3A_17 : memref<625x16xf32, #tpu.memory_space<vmem_shared>>) target(%dma_start3A_15 : memref<625x16xf32, #tpu.memory_space<hbm>>) target_semaphore(%run_scoped3A : memref<!tpu.dma_semaphore, #tpu.memory_space<semaphore_mem>>)
      %dma_wait3A = arith.constant 0 : i32
      %dma_wait3A_18 = tpu.memref_slice %arg5[%arg0, %mul3A_13, %dma_wait3A] : memref<2x10000x16xf32, #tpu.memory_space<hbm>> -> memref<1x625x16xf32, #tpu.memory_space<hbm>>
      %dma_wait3A_19 = tpu.memref_squeeze %dma_wait3A_18 : memref<1x625x16xf32, #tpu.memory_space<hbm>> -> memref<625x16xf32, #tpu.memory_space<hbm>>
      %dma_wait3A_20 = arith.constant 0 : i32
      %dma_wait3A_21 = tpu.memref_slice %arg8[%mul3A_11, %dma_wait3A_20] : memref<10000x16xf32, #tpu.memory_space<vmem_shared>> -> memref<625x16xf32, #tpu.memory_space<vmem_shared>>
      tpu.wait_dma2 semaphore(%run_scoped3A : memref<!tpu.dma_semaphore, #tpu.memory_space<semaphore_mem>>) src(%dma_wait3A_21 : memref<625x16xf32, #tpu.memory_space<vmem_shared>>) dst(%dma_wait3A_19 : memref<625x16xf32, #tpu.memory_space<hbm>>)
      tpu.yield
    }) : () -> ()
    return
  }
}

#map = affine_map<(d0, d1) -> (0, 0, 0)>
#map1 = affine_map<(d0, d1) -> (0, 0)>
module attributes {stable_mosaic.version = 14 : i64} {
  func.func @spmm(%arg0: i32, %arg1: i32, %arg2: memref<2x10000x64xf32, #tpu.memory_space<hbm>>, %arg3: memref<512x2x625xi32, #tpu.memory_space<hbm>>, %arg4: memref<625x64xf32, #tpu.memory_space<hbm>>, %arg5: memref<2x10000x64xf32, #tpu.memory_space<hbm>>, %arg6: memref<2x625xi32, #tpu.memory_space<vmem>>, %arg7: memref<2x625xi32, #tpu.memory_space<vmem>>, %arg8: memref<625x64xf32, #tpu.memory_space<vmem>>, %arg9: memref<625x64xf32, #tpu.memory_space<vmem>>, %arg10: memref<!tpu.dma_semaphore, #tpu.memory_space<semaphore_mem>>, %arg11: memref<!tpu.dma_semaphore, #tpu.memory_space<semaphore_mem>>, %arg12: memref<!tpu.dma_semaphore, #tpu.memory_space<semaphore_mem>>, %arg13: memref<!tpu.dma_semaphore, #tpu.memory_space<semaphore_mem>>, %arg14: memref<10000x64xf32, #tpu.memory_space<vmem_shared>>) attributes {dimension_semantics = [#tpu.dimension_semantics<core_parallel>, #tpu.dimension_semantics<subcore_parallel>], iteration_bounds = array<i64: 2, 16>, scalar_prefetch = 0 : i64, scratch_operands = 9 : i64, tpu.core_type = #tpu.core_type<sc_vector_subcore>, window_params = [{transform_indices = #map}, {transform_indices = #map}, {transform_indices = #map1}, {transform_indices = #map}]} {
    %mul3A = arith.constant 32 : i32
    %mul3A_0 = arith.muli %arg1, %mul3A : i32
    %mul3A_1 = arith.constant 625 : i32
    %mul3A_2 = arith.muli %arg1, %mul3A_1 : i32
    "tpu.region"() ({
      %run_scoped3A = tpu.sem_alloc : memref<!tpu.dma_semaphore, #tpu.memory_space<semaphore_mem>>
      %dma_start3A_31 = arith.constant 0 : i32
      %dma_start3A_32 = tpu.memref_slice %arg14[%mul3A_2, %dma_start3A_31] : memref<10000x64xf32, #tpu.memory_space<vmem_shared>> -> memref<625x64xf32, #tpu.memory_space<vmem_shared>>
      tpu.enqueue_dma source(%arg4 : memref<625x64xf32, #tpu.memory_space<hbm>>) target(%dma_start3A_32 : memref<625x64xf32, #tpu.memory_space<vmem_shared>>) target_semaphore(%run_scoped3A : memref<!tpu.dma_semaphore, #tpu.memory_space<semaphore_mem>>)
      %dma_wait3A = arith.constant 0 : i32
      %dma_wait3A_33 = tpu.memref_slice %arg14[%mul3A_2, %dma_wait3A] : memref<10000x64xf32, #tpu.memory_space<vmem_shared>> -> memref<625x64xf32, #tpu.memory_space<vmem_shared>>
      tpu.wait_dma2 semaphore(%run_scoped3A : memref<!tpu.dma_semaphore, #tpu.memory_space<semaphore_mem>>) src(%arg4 : memref<625x64xf32, #tpu.memory_space<hbm>>) dst(%dma_wait3A_33 : memref<625x64xf32, #tpu.memory_space<vmem_shared>>)
      tpu.yield
    }) : () -> ()
    %barrier3A = arith.constant 0 : index
    tpu.barrier barrier_id(%barrier3A)
    "tpu.region"() ({
      %run_scoped3A = tpu.sem_alloc : memref<!tpu.dma_semaphore, #tpu.memory_space<semaphore_mem>>
      %dma_start3A_31 = arith.constant 0 : i32
      %dma_start3A_32 = arith.constant 0 : i32
      %dma_start3A_33 = tpu.memref_slice %arg3[%mul3A_0, %dma_start3A_31, %dma_start3A_32] : memref<512x2x625xi32, #tpu.memory_space<hbm>> -> memref<1x2x625xi32, #tpu.memory_space<hbm>>
      %dma_start3A_34 = tpu.memref_squeeze %dma_start3A_33 : memref<1x2x625xi32, #tpu.memory_space<hbm>> -> memref<2x625xi32, #tpu.memory_space<hbm>>
      %dma_start3A_35 = arith.constant 0 : i32
      %dma_start3A_36 = arith.constant 0 : i32
      %dma_start3A_37 = tpu.memref_slice %arg3[%mul3A_0, %dma_start3A_35, %dma_start3A_36] : memref<512x2x625xi32, #tpu.memory_space<hbm>> -> memref<1x2x625xi32, #tpu.memory_space<hbm>>
      %dma_start3A_38 = tpu.memref_squeeze %dma_start3A_37 : memref<1x2x625xi32, #tpu.memory_space<hbm>> -> memref<2x625xi32, #tpu.memory_space<hbm>>
      tpu.enqueue_dma source(%dma_start3A_38 : memref<2x625xi32, #tpu.memory_space<hbm>>) target(%arg6 : memref<2x625xi32, #tpu.memory_space<vmem>>) target_semaphore(%run_scoped3A : memref<!tpu.dma_semaphore, #tpu.memory_space<semaphore_mem>>)
      %dma_wait3A = arith.constant 0 : i32
      %dma_wait3A_39 = arith.constant 0 : i32
      %dma_wait3A_40 = tpu.memref_slice %arg3[%mul3A_0, %dma_wait3A, %dma_wait3A_39] : memref<512x2x625xi32, #tpu.memory_space<hbm>> -> memref<1x2x625xi32, #tpu.memory_space<hbm>>
      %dma_wait3A_41 = tpu.memref_squeeze %dma_wait3A_40 : memref<1x2x625xi32, #tpu.memory_space<hbm>> -> memref<2x625xi32, #tpu.memory_space<hbm>>
      %dma_wait3A_42 = arith.constant 0 : i32
      %dma_wait3A_43 = arith.constant 0 : i32
      %dma_wait3A_44 = tpu.memref_slice %arg3[%mul3A_0, %dma_wait3A_42, %dma_wait3A_43] : memref<512x2x625xi32, #tpu.memory_space<hbm>> -> memref<1x2x625xi32, #tpu.memory_space<hbm>>
      %dma_wait3A_45 = tpu.memref_squeeze %dma_wait3A_44 : memref<1x2x625xi32, #tpu.memory_space<hbm>> -> memref<2x625xi32, #tpu.memory_space<hbm>>
      tpu.wait_dma2 semaphore(%run_scoped3A : memref<!tpu.dma_semaphore, #tpu.memory_space<semaphore_mem>>) src(%dma_wait3A_45 : memref<2x625xi32, #tpu.memory_space<hbm>>) dst(%arg6 : memref<2x625xi32, #tpu.memory_space<vmem>>)
      tpu.yield
    }) : () -> ()
    %dma_start3A = arith.constant 1 : i32
    %dma_start3A_3 = arith.constant 0 : i32
    %dma_start3A_4 = tpu.memref_slice %arg6[%dma_start3A, %dma_start3A_3] : memref<2x625xi32, #tpu.memory_space<vmem>> -> memref<1x625xi32, #tpu.memory_space<vmem>>
    %dma_start3A_5 = tpu.memref_squeeze %dma_start3A_4 : memref<1x625xi32, #tpu.memory_space<vmem>> -> memref<625xi32, #tpu.memory_space<vmem>>
    %dma_start3A_6 = arith.constant 0 : i32
    %dma_start3A_7 = arith.constant 0 : i32
    %dma_start3A_8 = tpu.memref_slice %arg2[%arg0, %dma_start3A_6, %dma_start3A_7] : memref<2x10000x64xf32, #tpu.memory_space<hbm>> -> memref<1x10000x64xf32, #tpu.memory_space<hbm>>
    %dma_start3A_9 = tpu.memref_squeeze %dma_start3A_8 : memref<1x10000x64xf32, #tpu.memory_space<hbm>> -> memref<10000x64xf32, #tpu.memory_space<hbm>>
    %dma_start3A_10 = arith.constant 0 : i32
    %dma_start3A_11 = arith.constant 0 : i32
    %dma_start3A_12 = tpu.memref_slice %dma_start3A_9[%dma_start3A_10, %dma_start3A_11] : memref<10000x64xf32, #tpu.memory_space<hbm>> -> memref<10000x64xf32, #tpu.memory_space<hbm>>
    tpu.enqueue_indirect_dma source(%dma_start3A_12 : memref<10000x64xf32, #tpu.memory_space<hbm>>) target(%arg8 : memref<625x64xf32, #tpu.memory_space<vmem>>) offsets(%dma_start3A_5 : memref<625xi32, #tpu.memory_space<vmem>>) semaphore(%arg10 : memref<!tpu.dma_semaphore, #tpu.memory_space<semaphore_mem>>)
    %add3A = arith.constant 1 : i32
    %add3A_13 = arith.addi %mul3A_0, %add3A : i32
    %dma_start3A_14 = arith.constant 0 : i32
    %dma_start3A_15 = arith.constant 0 : i32
    %dma_start3A_16 = tpu.memref_slice %arg3[%add3A_13, %dma_start3A_14, %dma_start3A_15] : memref<512x2x625xi32, #tpu.memory_space<hbm>> -> memref<1x2x625xi32, #tpu.memory_space<hbm>>
    %dma_start3A_17 = tpu.memref_squeeze %dma_start3A_16 : memref<1x2x625xi32, #tpu.memory_space<hbm>> -> memref<2x625xi32, #tpu.memory_space<hbm>>
    %dma_start3A_18 = arith.constant 0 : i32
    %dma_start3A_19 = arith.constant 0 : i32
    %dma_start3A_20 = tpu.memref_slice %arg3[%add3A_13, %dma_start3A_18, %dma_start3A_19] : memref<512x2x625xi32, #tpu.memory_space<hbm>> -> memref<1x2x625xi32, #tpu.memory_space<hbm>>
    %dma_start3A_21 = tpu.memref_squeeze %dma_start3A_20 : memref<1x2x625xi32, #tpu.memory_space<hbm>> -> memref<2x625xi32, #tpu.memory_space<hbm>>
    tpu.enqueue_dma source(%dma_start3A_21 : memref<2x625xi32, #tpu.memory_space<hbm>>) target(%arg7 : memref<2x625xi32, #tpu.memory_space<vmem>>) target_semaphore(%arg13 : memref<!tpu.dma_semaphore, #tpu.memory_space<semaphore_mem>>)
    %scan3A = arith.constant 0 : i32
    %scan3A_22 = arith.constant 16 : i32
    %scan3A_23 = arith.addi %scan3A, %scan3A_22 : i32
    %scan3A_24 = arith.constant 1 : i32
    scf.for %scan3A_31 = %scan3A to %scan3A_23 step %scan3A_24  : i32 {
      %mul3A_32 = arith.constant 2 : i32
      %mul3A_33 = arith.muli %scan3A_31, %mul3A_32 : i32
      %add3A_34 = arith.constant 0 : i32
      %add3A_35 = arith.addi %add3A_34, %mul3A_33 : i32
      %dma_wait3A = arith.constant 0 : i32
      %dma_wait3A_36 = arith.constant 0 : i32
      %dma_wait3A_37 = tpu.memref_slice %arg2[%arg0, %dma_wait3A, %dma_wait3A_36] : memref<2x10000x64xf32, #tpu.memory_space<hbm>> -> memref<1x10000x64xf32, #tpu.memory_space<hbm>>
      %dma_wait3A_38 = tpu.memref_squeeze %dma_wait3A_37 : memref<1x10000x64xf32, #tpu.memory_space<hbm>> -> memref<10000x64xf32, #tpu.memory_space<hbm>>
      %dma_wait3A_39 = arith.constant 0 : i32
      %dma_wait3A_40 = arith.constant 0 : i32
      %dma_wait3A_41 = tpu.memref_slice %dma_wait3A_38[%dma_wait3A_39, %dma_wait3A_40] : memref<10000x64xf32, #tpu.memory_space<hbm>> -> memref<625x64xf32, #tpu.memory_space<hbm>>
      %dma_wait3A_42 = arith.constant 0 : i32
      %dma_wait3A_43 = arith.constant 0 : i32
      %dma_wait3A_44 = tpu.memref_slice %arg2[%arg0, %dma_wait3A_42, %dma_wait3A_43] : memref<2x10000x64xf32, #tpu.memory_space<hbm>> -> memref<1x10000x64xf32, #tpu.memory_space<hbm>>
      %dma_wait3A_45 = tpu.memref_squeeze %dma_wait3A_44 : memref<1x10000x64xf32, #tpu.memory_space<hbm>> -> memref<10000x64xf32, #tpu.memory_space<hbm>>
      %dma_wait3A_46 = arith.constant 0 : i32
      %dma_wait3A_47 = arith.constant 0 : i32
      %dma_wait3A_48 = tpu.memref_slice %dma_wait3A_45[%dma_wait3A_46, %dma_wait3A_47] : memref<10000x64xf32, #tpu.memory_space<hbm>> -> memref<625x64xf32, #tpu.memory_space<hbm>>
      tpu.wait_dma2 semaphore(%arg10 : memref<!tpu.dma_semaphore, #tpu.memory_space<semaphore_mem>>) src(%dma_wait3A_48 : memref<625x64xf32, #tpu.memory_space<hbm>>) dst(%arg8 : memref<625x64xf32, #tpu.memory_space<vmem>>)
      %dma_wait3A_49 = arith.constant 0 : i32
      %dma_wait3A_50 = arith.constant 0 : i32
      %dma_wait3A_51 = arith.constant 0 : i32
      %dma_wait3A_52 = tpu.memref_slice %arg3[%dma_wait3A_49, %dma_wait3A_50, %dma_wait3A_51] : memref<512x2x625xi32, #tpu.memory_space<hbm>> -> memref<1x2x625xi32, #tpu.memory_space<hbm>>
      %dma_wait3A_53 = tpu.memref_squeeze %dma_wait3A_52 : memref<1x2x625xi32, #tpu.memory_space<hbm>> -> memref<2x625xi32, #tpu.memory_space<hbm>>
      %dma_wait3A_54 = arith.constant 0 : i32
      %dma_wait3A_55 = arith.constant 0 : i32
      %dma_wait3A_56 = tpu.memref_slice %arg3[%dma_wait3A_49, %dma_wait3A_54, %dma_wait3A_55] : memref<512x2x625xi32, #tpu.memory_space<hbm>> -> memref<1x2x625xi32, #tpu.memory_space<hbm>>
      %dma_wait3A_57 = tpu.memref_squeeze %dma_wait3A_56 : memref<1x2x625xi32, #tpu.memory_space<hbm>> -> memref<2x625xi32, #tpu.memory_space<hbm>>
      tpu.wait_dma2 semaphore(%arg13 : memref<!tpu.dma_semaphore, #tpu.memory_space<semaphore_mem>>) src(%dma_wait3A_57 : memref<2x625xi32, #tpu.memory_space<hbm>>) dst(%arg7 : memref<2x625xi32, #tpu.memory_space<vmem>>)
      %dma_start3A_58 = arith.constant 1 : i32
      %dma_start3A_59 = arith.constant 0 : i32
      %dma_start3A_60 = tpu.memref_slice %arg7[%dma_start3A_58, %dma_start3A_59] : memref<2x625xi32, #tpu.memory_space<vmem>> -> memref<1x625xi32, #tpu.memory_space<vmem>>
      %dma_start3A_61 = tpu.memref_squeeze %dma_start3A_60 : memref<1x625xi32, #tpu.memory_space<vmem>> -> memref<625xi32, #tpu.memory_space<vmem>>
      %dma_start3A_62 = arith.constant 0 : i32
      %dma_start3A_63 = arith.constant 0 : i32
      %dma_start3A_64 = tpu.memref_slice %arg2[%arg0, %dma_start3A_62, %dma_start3A_63] : memref<2x10000x64xf32, #tpu.memory_space<hbm>> -> memref<1x10000x64xf32, #tpu.memory_space<hbm>>
      %dma_start3A_65 = tpu.memref_squeeze %dma_start3A_64 : memref<1x10000x64xf32, #tpu.memory_space<hbm>> -> memref<10000x64xf32, #tpu.memory_space<hbm>>
      %dma_start3A_66 = arith.constant 0 : i32
      %dma_start3A_67 = arith.constant 0 : i32
      %dma_start3A_68 = tpu.memref_slice %dma_start3A_65[%dma_start3A_66, %dma_start3A_67] : memref<10000x64xf32, #tpu.memory_space<hbm>> -> memref<10000x64xf32, #tpu.memory_space<hbm>>
      tpu.enqueue_indirect_dma source(%dma_start3A_68 : memref<10000x64xf32, #tpu.memory_space<hbm>>) target(%arg9 : memref<625x64xf32, #tpu.memory_space<vmem>>) offsets(%dma_start3A_61 : memref<625xi32, #tpu.memory_space<vmem>>) semaphore(%arg11 : memref<!tpu.dma_semaphore, #tpu.memory_space<semaphore_mem>>)
      %run_scoped3A = arith.constant 0 : i32
      "tpu.region"() ({
        %run_scoped3A_102 = tpu.sem_alloc : memref<!tpu.dma_semaphore, #tpu.memory_space<semaphore_mem>>
        %dma_start3A_103 = arith.constant 0 : i32
        %dma_start3A_104 = tpu.memref_slice %arg6[%run_scoped3A, %dma_start3A_103] : memref<2x625xi32, #tpu.memory_space<vmem>> -> memref<1x625xi32, #tpu.memory_space<vmem>>
        %dma_start3A_105 = tpu.memref_squeeze %dma_start3A_104 : memref<1x625xi32, #tpu.memory_space<vmem>> -> memref<625xi32, #tpu.memory_space<vmem>>
        %dma_start3A_106 = arith.constant 0 : i32
        %dma_start3A_107 = arith.constant 0 : i32
        %dma_start3A_108 = tpu.memref_slice %arg14[%dma_start3A_106, %dma_start3A_107] : memref<10000x64xf32, #tpu.memory_space<vmem_shared>> -> memref<10000x64xf32, #tpu.memory_space<vmem_shared>>
        tpu.enqueue_indirect_dma source(%arg8 : memref<625x64xf32, #tpu.memory_space<vmem>>) target(%dma_start3A_108 : memref<10000x64xf32, #tpu.memory_space<vmem_shared>>) offsets(%dma_start3A_105 : memref<625xi32, #tpu.memory_space<vmem>>) semaphore(%run_scoped3A_102 : memref<!tpu.dma_semaphore, #tpu.memory_space<semaphore_mem>>) {add = true}
        %dma_wait3A_109 = arith.constant 0 : i32
        %dma_wait3A_110 = tpu.memref_slice %arg6[%run_scoped3A, %dma_wait3A_109] : memref<2x625xi32, #tpu.memory_space<vmem>> -> memref<1x625xi32, #tpu.memory_space<vmem>>
        %dma_wait3A_111 = tpu.memref_squeeze %dma_wait3A_110 : memref<1x625xi32, #tpu.memory_space<vmem>> -> memref<625xi32, #tpu.memory_space<vmem>>
        %dma_wait3A_112 = arith.constant 0 : i32
        %dma_wait3A_113 = arith.constant 0 : i32
        %dma_wait3A_114 = tpu.memref_slice %arg14[%dma_wait3A_112, %dma_wait3A_113] : memref<10000x64xf32, #tpu.memory_space<vmem_shared>> -> memref<10000x64xf32, #tpu.memory_space<vmem_shared>>
        tpu.wait_indirect_dma semaphore(%run_scoped3A_102 : memref<!tpu.dma_semaphore, #tpu.memory_space<semaphore_mem>>) src(%arg8 : memref<625x64xf32, #tpu.memory_space<vmem>>) dst(%dma_wait3A_114 : memref<10000x64xf32, #tpu.memory_space<vmem_shared>>)
        tpu.yield
      }) : () -> ()
      %add3A_69 = arith.constant 2 : i32
      %add3A_70 = arith.addi %add3A_35, %add3A_69 : i32
      %lt3A = arith.constant 32 : i32
      %lt3A_71 = arith.cmpi slt, %add3A_70, %lt3A : i32
      %convert_element_type3A = arith.extui %lt3A_71 : i1 to i32
      %cond3A = arith.constant 0 : i32
      %cond3A_72 = arith.cmpi ne, %convert_element_type3A, %cond3A : i32
      scf.if %cond3A_72 {
        %add3A_102 = arith.addi %mul3A_0, %add3A_35 : i32
        %add3A_103 = arith.constant 2 : i32
        %add3A_104 = arith.addi %add3A_102, %add3A_103 : i32
        %dma_start3A_105 = arith.constant 0 : i32
        %dma_start3A_106 = arith.constant 0 : i32
        %dma_start3A_107 = tpu.memref_slice %arg3[%add3A_104, %dma_start3A_105, %dma_start3A_106] : memref<512x2x625xi32, #tpu.memory_space<hbm>> -> memref<1x2x625xi32, #tpu.memory_space<hbm>>
        %dma_start3A_108 = tpu.memref_squeeze %dma_start3A_107 : memref<1x2x625xi32, #tpu.memory_space<hbm>> -> memref<2x625xi32, #tpu.memory_space<hbm>>
        %dma_start3A_109 = arith.constant 0 : i32
        %dma_start3A_110 = arith.constant 0 : i32
        %dma_start3A_111 = tpu.memref_slice %arg3[%add3A_104, %dma_start3A_109, %dma_start3A_110] : memref<512x2x625xi32, #tpu.memory_space<hbm>> -> memref<1x2x625xi32, #tpu.memory_space<hbm>>
        %dma_start3A_112 = tpu.memref_squeeze %dma_start3A_111 : memref<1x2x625xi32, #tpu.memory_space<hbm>> -> memref<2x625xi32, #tpu.memory_space<hbm>>
        tpu.enqueue_dma source(%dma_start3A_112 : memref<2x625xi32, #tpu.memory_space<hbm>>) target(%arg6 : memref<2x625xi32, #tpu.memory_space<vmem>>) target_semaphore(%arg12 : memref<!tpu.dma_semaphore, #tpu.memory_space<semaphore_mem>>)
      } else {
      }
      %dma_wait3A_73 = arith.constant 0 : i32
      %dma_wait3A_74 = arith.constant 0 : i32
      %dma_wait3A_75 = tpu.memref_slice %arg2[%arg0, %dma_wait3A_73, %dma_wait3A_74] : memref<2x10000x64xf32, #tpu.memory_space<hbm>> -> memref<1x10000x64xf32, #tpu.memory_space<hbm>>
      %dma_wait3A_76 = tpu.memref_squeeze %dma_wait3A_75 : memref<1x10000x64xf32, #tpu.memory_space<hbm>> -> memref<10000x64xf32, #tpu.memory_space<hbm>>
      %dma_wait3A_77 = arith.constant 0 : i32
      %dma_wait3A_78 = arith.constant 0 : i32
      %dma_wait3A_79 = tpu.memref_slice %dma_wait3A_76[%dma_wait3A_77, %dma_wait3A_78] : memref<10000x64xf32, #tpu.memory_space<hbm>> -> memref<625x64xf32, #tpu.memory_space<hbm>>
      %dma_wait3A_80 = arith.constant 0 : i32
      %dma_wait3A_81 = arith.constant 0 : i32
      %dma_wait3A_82 = tpu.memref_slice %arg2[%arg0, %dma_wait3A_80, %dma_wait3A_81] : memref<2x10000x64xf32, #tpu.memory_space<hbm>> -> memref<1x10000x64xf32, #tpu.memory_space<hbm>>
      %dma_wait3A_83 = tpu.memref_squeeze %dma_wait3A_82 : memref<1x10000x64xf32, #tpu.memory_space<hbm>> -> memref<10000x64xf32, #tpu.memory_space<hbm>>
      %dma_wait3A_84 = arith.constant 0 : i32
      %dma_wait3A_85 = arith.constant 0 : i32
      %dma_wait3A_86 = tpu.memref_slice %dma_wait3A_83[%dma_wait3A_84, %dma_wait3A_85] : memref<10000x64xf32, #tpu.memory_space<hbm>> -> memref<625x64xf32, #tpu.memory_space<hbm>>
      tpu.wait_dma2 semaphore(%arg11 : memref<!tpu.dma_semaphore, #tpu.memory_space<semaphore_mem>>) src(%dma_wait3A_86 : memref<625x64xf32, #tpu.memory_space<hbm>>) dst(%arg9 : memref<625x64xf32, #tpu.memory_space<vmem>>)
      %add3A_87 = arith.constant 2 : i32
      %add3A_88 = arith.addi %add3A_35, %add3A_87 : i32
      %lt3A_89 = arith.constant 32 : i32
      %lt3A_90 = arith.cmpi slt, %add3A_88, %lt3A_89 : i32
      %convert_element_type3A_91 = arith.extui %lt3A_90 : i1 to i32
      %cond3A_92 = arith.constant 0 : i32
      %cond3A_93 = arith.cmpi ne, %convert_element_type3A_91, %cond3A_92 : i32
      scf.if %cond3A_93 {
        %dma_wait3A_102 = arith.constant 0 : i32
        %dma_wait3A_103 = arith.constant 0 : i32
        %dma_wait3A_104 = arith.constant 0 : i32
        %dma_wait3A_105 = tpu.memref_slice %arg3[%dma_wait3A_102, %dma_wait3A_103, %dma_wait3A_104] : memref<512x2x625xi32, #tpu.memory_space<hbm>> -> memref<1x2x625xi32, #tpu.memory_space<hbm>>
        %dma_wait3A_106 = tpu.memref_squeeze %dma_wait3A_105 : memref<1x2x625xi32, #tpu.memory_space<hbm>> -> memref<2x625xi32, #tpu.memory_space<hbm>>
        %dma_wait3A_107 = arith.constant 0 : i32
        %dma_wait3A_108 = arith.constant 0 : i32
        %dma_wait3A_109 = tpu.memref_slice %arg3[%dma_wait3A_102, %dma_wait3A_107, %dma_wait3A_108] : memref<512x2x625xi32, #tpu.memory_space<hbm>> -> memref<1x2x625xi32, #tpu.memory_space<hbm>>
        %dma_wait3A_110 = tpu.memref_squeeze %dma_wait3A_109 : memref<1x2x625xi32, #tpu.memory_space<hbm>> -> memref<2x625xi32, #tpu.memory_space<hbm>>
        tpu.wait_dma2 semaphore(%arg12 : memref<!tpu.dma_semaphore, #tpu.memory_space<semaphore_mem>>) src(%dma_wait3A_110 : memref<2x625xi32, #tpu.memory_space<hbm>>) dst(%arg6 : memref<2x625xi32, #tpu.memory_space<vmem>>)
        %dma_start3A_111 = arith.constant 1 : i32
        %dma_start3A_112 = arith.constant 0 : i32
        %dma_start3A_113 = tpu.memref_slice %arg6[%dma_start3A_111, %dma_start3A_112] : memref<2x625xi32, #tpu.memory_space<vmem>> -> memref<1x625xi32, #tpu.memory_space<vmem>>
        %dma_start3A_114 = tpu.memref_squeeze %dma_start3A_113 : memref<1x625xi32, #tpu.memory_space<vmem>> -> memref<625xi32, #tpu.memory_space<vmem>>
        %dma_start3A_115 = arith.constant 0 : i32
        %dma_start3A_116 = arith.constant 0 : i32
        %dma_start3A_117 = tpu.memref_slice %arg2[%arg0, %dma_start3A_115, %dma_start3A_116] : memref<2x10000x64xf32, #tpu.memory_space<hbm>> -> memref<1x10000x64xf32, #tpu.memory_space<hbm>>
        %dma_start3A_118 = tpu.memref_squeeze %dma_start3A_117 : memref<1x10000x64xf32, #tpu.memory_space<hbm>> -> memref<10000x64xf32, #tpu.memory_space<hbm>>
        %dma_start3A_119 = arith.constant 0 : i32
        %dma_start3A_120 = arith.constant 0 : i32
        %dma_start3A_121 = tpu.memref_slice %dma_start3A_118[%dma_start3A_119, %dma_start3A_120] : memref<10000x64xf32, #tpu.memory_space<hbm>> -> memref<10000x64xf32, #tpu.memory_space<hbm>>
        tpu.enqueue_indirect_dma source(%dma_start3A_121 : memref<10000x64xf32, #tpu.memory_space<hbm>>) target(%arg8 : memref<625x64xf32, #tpu.memory_space<vmem>>) offsets(%dma_start3A_114 : memref<625xi32, #tpu.memory_space<vmem>>) semaphore(%arg10 : memref<!tpu.dma_semaphore, #tpu.memory_space<semaphore_mem>>)
      } else {
      }
      %run_scoped3A_94 = arith.constant 0 : i32
      "tpu.region"() ({
        %run_scoped3A_102 = tpu.sem_alloc : memref<!tpu.dma_semaphore, #tpu.memory_space<semaphore_mem>>
        %dma_start3A_103 = arith.constant 0 : i32
        %dma_start3A_104 = tpu.memref_slice %arg7[%run_scoped3A_94, %dma_start3A_103] : memref<2x625xi32, #tpu.memory_space<vmem>> -> memref<1x625xi32, #tpu.memory_space<vmem>>
        %dma_start3A_105 = tpu.memref_squeeze %dma_start3A_104 : memref<1x625xi32, #tpu.memory_space<vmem>> -> memref<625xi32, #tpu.memory_space<vmem>>
        %dma_start3A_106 = arith.constant 0 : i32
        %dma_start3A_107 = arith.constant 0 : i32
        %dma_start3A_108 = tpu.memref_slice %arg14[%dma_start3A_106, %dma_start3A_107] : memref<10000x64xf32, #tpu.memory_space<vmem_shared>> -> memref<10000x64xf32, #tpu.memory_space<vmem_shared>>
        tpu.enqueue_indirect_dma source(%arg9 : memref<625x64xf32, #tpu.memory_space<vmem>>) target(%dma_start3A_108 : memref<10000x64xf32, #tpu.memory_space<vmem_shared>>) offsets(%dma_start3A_105 : memref<625xi32, #tpu.memory_space<vmem>>) semaphore(%run_scoped3A_102 : memref<!tpu.dma_semaphore, #tpu.memory_space<semaphore_mem>>) {add = true}
        %dma_wait3A_109 = arith.constant 0 : i32
        %dma_wait3A_110 = tpu.memref_slice %arg7[%run_scoped3A_94, %dma_wait3A_109] : memref<2x625xi32, #tpu.memory_space<vmem>> -> memref<1x625xi32, #tpu.memory_space<vmem>>
        %dma_wait3A_111 = tpu.memref_squeeze %dma_wait3A_110 : memref<1x625xi32, #tpu.memory_space<vmem>> -> memref<625xi32, #tpu.memory_space<vmem>>
        %dma_wait3A_112 = arith.constant 0 : i32
        %dma_wait3A_113 = arith.constant 0 : i32
        %dma_wait3A_114 = tpu.memref_slice %arg14[%dma_wait3A_112, %dma_wait3A_113] : memref<10000x64xf32, #tpu.memory_space<vmem_shared>> -> memref<10000x64xf32, #tpu.memory_space<vmem_shared>>
        tpu.wait_indirect_dma semaphore(%run_scoped3A_102 : memref<!tpu.dma_semaphore, #tpu.memory_space<semaphore_mem>>) src(%arg9 : memref<625x64xf32, #tpu.memory_space<vmem>>) dst(%dma_wait3A_114 : memref<10000x64xf32, #tpu.memory_space<vmem_shared>>)
        tpu.yield
      }) : () -> ()
      %add3A_95 = arith.constant 3 : i32
      %add3A_96 = arith.addi %add3A_35, %add3A_95 : i32
      %lt3A_97 = arith.constant 32 : i32
      %lt3A_98 = arith.cmpi slt, %add3A_96, %lt3A_97 : i32
      %convert_element_type3A_99 = arith.extui %lt3A_98 : i1 to i32
      %cond3A_100 = arith.constant 0 : i32
      %cond3A_101 = arith.cmpi ne, %convert_element_type3A_99, %cond3A_100 : i32
      scf.if %cond3A_101 {
        %add3A_102 = arith.addi %mul3A_0, %add3A_35 : i32
        %add3A_103 = arith.constant 3 : i32
        %add3A_104 = arith.addi %add3A_102, %add3A_103 : i32
        %dma_start3A_105 = arith.constant 0 : i32
        %dma_start3A_106 = arith.constant 0 : i32
        %dma_start3A_107 = tpu.memref_slice %arg3[%add3A_104, %dma_start3A_105, %dma_start3A_106] : memref<512x2x625xi32, #tpu.memory_space<hbm>> -> memref<1x2x625xi32, #tpu.memory_space<hbm>>
        %dma_start3A_108 = tpu.memref_squeeze %dma_start3A_107 : memref<1x2x625xi32, #tpu.memory_space<hbm>> -> memref<2x625xi32, #tpu.memory_space<hbm>>
        %dma_start3A_109 = arith.constant 0 : i32
        %dma_start3A_110 = arith.constant 0 : i32
        %dma_start3A_111 = tpu.memref_slice %arg3[%add3A_104, %dma_start3A_109, %dma_start3A_110] : memref<512x2x625xi32, #tpu.memory_space<hbm>> -> memref<1x2x625xi32, #tpu.memory_space<hbm>>
        %dma_start3A_112 = tpu.memref_squeeze %dma_start3A_111 : memref<1x2x625xi32, #tpu.memory_space<hbm>> -> memref<2x625xi32, #tpu.memory_space<hbm>>
        tpu.enqueue_dma source(%dma_start3A_112 : memref<2x625xi32, #tpu.memory_space<hbm>>) target(%arg7 : memref<2x625xi32, #tpu.memory_space<vmem>>) target_semaphore(%arg13 : memref<!tpu.dma_semaphore, #tpu.memory_space<semaphore_mem>>)
      } else {
      }
    }
    %scan3A_25 = arith.constant 16 : i32
    %barrier3A_26 = arith.constant 0 : index
    tpu.barrier barrier_id(%barrier3A_26)
    %mul3A_27 = arith.constant 625 : i32
    %mul3A_28 = arith.muli %arg1, %mul3A_27 : i32
    %mul3A_29 = arith.constant 625 : i32
    %mul3A_30 = arith.muli %arg1, %mul3A_29 : i32
    "tpu.region"() ({
      %run_scoped3A = tpu.sem_alloc : memref<!tpu.dma_semaphore, #tpu.memory_space<semaphore_mem>>
      %dma_start3A_31 = arith.constant 0 : i32
      %dma_start3A_32 = tpu.memref_slice %arg5[%arg0, %mul3A_30, %dma_start3A_31] : memref<2x10000x64xf32, #tpu.memory_space<hbm>> -> memref<1x625x64xf32, #tpu.memory_space<hbm>>
      %dma_start3A_33 = tpu.memref_squeeze %dma_start3A_32 : memref<1x625x64xf32, #tpu.memory_space<hbm>> -> memref<625x64xf32, #tpu.memory_space<hbm>>
      %dma_start3A_34 = arith.constant 0 : i32
      %dma_start3A_35 = tpu.memref_slice %arg14[%mul3A_28, %dma_start3A_34] : memref<10000x64xf32, #tpu.memory_space<vmem_shared>> -> memref<625x64xf32, #tpu.memory_space<vmem_shared>>
      tpu.enqueue_dma source(%dma_start3A_35 : memref<625x64xf32, #tpu.memory_space<vmem_shared>>) target(%dma_start3A_33 : memref<625x64xf32, #tpu.memory_space<hbm>>) target_semaphore(%run_scoped3A : memref<!tpu.dma_semaphore, #tpu.memory_space<semaphore_mem>>)
      %dma_wait3A = arith.constant 0 : i32
      %dma_wait3A_36 = tpu.memref_slice %arg5[%arg0, %mul3A_30, %dma_wait3A] : memref<2x10000x64xf32, #tpu.memory_space<hbm>> -> memref<1x625x64xf32, #tpu.memory_space<hbm>>
      %dma_wait3A_37 = tpu.memref_squeeze %dma_wait3A_36 : memref<1x625x64xf32, #tpu.memory_space<hbm>> -> memref<625x64xf32, #tpu.memory_space<hbm>>
      %dma_wait3A_38 = arith.constant 0 : i32
      %dma_wait3A_39 = tpu.memref_slice %arg14[%mul3A_28, %dma_wait3A_38] : memref<10000x64xf32, #tpu.memory_space<vmem_shared>> -> memref<625x64xf32, #tpu.memory_space<vmem_shared>>
      tpu.wait_dma2 semaphore(%run_scoped3A : memref<!tpu.dma_semaphore, #tpu.memory_space<semaphore_mem>>) src(%dma_wait3A_39 : memref<625x64xf32, #tpu.memory_space<vmem_shared>>) dst(%dma_wait3A_37 : memref<625x64xf32, #tpu.memory_space<hbm>>)
      tpu.yield
    }) : () -> ()
    return
  }
}

#map = affine_map<(d0, d1) -> (0, 0, 0)>
#map1 = affine_map<(d0, d1) -> (0, 0)>
module attributes {stable_mosaic.version = 14 : i64} {
  func.func @spmm(%arg0: i32, %arg1: i32, %arg2: memref<2x10000x32xf32, #tpu.memory_space<hbm>>, %arg3: memref<320x2x1000xi32, #tpu.memory_space<hbm>>, %arg4: memref<625x32xf32, #tpu.memory_space<hbm>>, %arg5: memref<2x10000x32xf32, #tpu.memory_space<hbm>>, %arg6: memref<2x1000xi32, #tpu.memory_space<vmem>>, %arg7: memref<2x1000xi32, #tpu.memory_space<vmem>>, %arg8: memref<1000x32xf32, #tpu.memory_space<vmem>>, %arg9: memref<1000x32xf32, #tpu.memory_space<vmem>>, %arg10: memref<!tpu.dma_semaphore, #tpu.memory_space<semaphore_mem>>, %arg11: memref<!tpu.dma_semaphore, #tpu.memory_space<semaphore_mem>>, %arg12: memref<!tpu.dma_semaphore, #tpu.memory_space<semaphore_mem>>, %arg13: memref<!tpu.dma_semaphore, #tpu.memory_space<semaphore_mem>>, %arg14: memref<10000x32xf32, #tpu.memory_space<vmem_shared>>) attributes {dimension_semantics = [#tpu.dimension_semantics<core_parallel>, #tpu.dimension_semantics<subcore_parallel>], iteration_bounds = array<i64: 2, 16>, scalar_prefetch = 0 : i64, scratch_operands = 9 : i64, tpu.core_type = #tpu.core_type<sc_vector_subcore>, window_params = [{transform_indices = #map}, {transform_indices = #map}, {transform_indices = #map1}, {transform_indices = #map}]} {
    %mul3A = arith.constant 20 : i32
    %mul3A_0 = arith.muli %arg1, %mul3A : i32
    %mul3A_1 = arith.constant 625 : i32
    %mul3A_2 = arith.muli %arg1, %mul3A_1 : i32
    "tpu.region"() ({
      %run_scoped3A = tpu.sem_alloc : memref<!tpu.dma_semaphore, #tpu.memory_space<semaphore_mem>>
      %dma_start3A_31 = arith.constant 0 : i32
      %dma_start3A_32 = tpu.memref_slice %arg14[%mul3A_2, %dma_start3A_31] : memref<10000x32xf32, #tpu.memory_space<vmem_shared>> -> memref<625x32xf32, #tpu.memory_space<vmem_shared>>
      tpu.enqueue_dma source(%arg4 : memref<625x32xf32, #tpu.memory_space<hbm>>) target(%dma_start3A_32 : memref<625x32xf32, #tpu.memory_space<vmem_shared>>) target_semaphore(%run_scoped3A : memref<!tpu.dma_semaphore, #tpu.memory_space<semaphore_mem>>)
      %dma_wait3A = arith.constant 0 : i32
      %dma_wait3A_33 = tpu.memref_slice %arg14[%mul3A_2, %dma_wait3A] : memref<10000x32xf32, #tpu.memory_space<vmem_shared>> -> memref<625x32xf32, #tpu.memory_space<vmem_shared>>
      tpu.wait_dma2 semaphore(%run_scoped3A : memref<!tpu.dma_semaphore, #tpu.memory_space<semaphore_mem>>) src(%arg4 : memref<625x32xf32, #tpu.memory_space<hbm>>) dst(%dma_wait3A_33 : memref<625x32xf32, #tpu.memory_space<vmem_shared>>)
      tpu.yield
    }) : () -> ()
    %barrier3A = arith.constant 0 : index
    tpu.barrier barrier_id(%barrier3A)
    "tpu.region"() ({
      %run_scoped3A = tpu.sem_alloc : memref<!tpu.dma_semaphore, #tpu.memory_space<semaphore_mem>>
      %dma_start3A_31 = arith.constant 0 : i32
      %dma_start3A_32 = arith.constant 0 : i32
      %dma_start3A_33 = tpu.memref_slice %arg3[%mul3A_0, %dma_start3A_31, %dma_start3A_32] : memref<320x2x1000xi32, #tpu.memory_space<hbm>> -> memref<1x2x1000xi32, #tpu.memory_space<hbm>>
      %dma_start3A_34 = tpu.memref_squeeze %dma_start3A_33 : memref<1x2x1000xi32, #tpu.memory_space<hbm>> -> memref<2x1000xi32, #tpu.memory_space<hbm>>
      %dma_start3A_35 = arith.constant 0 : i32
      %dma_start3A_36 = arith.constant 0 : i32
      %dma_start3A_37 = tpu.memref_slice %arg3[%mul3A_0, %dma_start3A_35, %dma_start3A_36] : memref<320x2x1000xi32, #tpu.memory_space<hbm>> -> memref<1x2x1000xi32, #tpu.memory_space<hbm>>
      %dma_start3A_38 = tpu.memref_squeeze %dma_start3A_37 : memref<1x2x1000xi32, #tpu.memory_space<hbm>> -> memref<2x1000xi32, #tpu.memory_space<hbm>>
      tpu.enqueue_dma source(%dma_start3A_38 : memref<2x1000xi32, #tpu.memory_space<hbm>>) target(%arg6 : memref<2x1000xi32, #tpu.memory_space<vmem>>) target_semaphore(%run_scoped3A : memref<!tpu.dma_semaphore, #tpu.memory_space<semaphore_mem>>)
      %dma_wait3A = arith.constant 0 : i32
      %dma_wait3A_39 = arith.constant 0 : i32
      %dma_wait3A_40 = tpu.memref_slice %arg3[%mul3A_0, %dma_wait3A, %dma_wait3A_39] : memref<320x2x1000xi32, #tpu.memory_space<hbm>> -> memref<1x2x1000xi32, #tpu.memory_space<hbm>>
      %dma_wait3A_41 = tpu.memref_squeeze %dma_wait3A_40 : memref<1x2x1000xi32, #tpu.memory_space<hbm>> -> memref<2x1000xi32, #tpu.memory_space<hbm>>
      %dma_wait3A_42 = arith.constant 0 : i32
      %dma_wait3A_43 = arith.constant 0 : i32
      %dma_wait3A_44 = tpu.memref_slice %arg3[%mul3A_0, %dma_wait3A_42, %dma_wait3A_43] : memref<320x2x1000xi32, #tpu.memory_space<hbm>> -> memref<1x2x1000xi32, #tpu.memory_space<hbm>>
      %dma_wait3A_45 = tpu.memref_squeeze %dma_wait3A_44 : memref<1x2x1000xi32, #tpu.memory_space<hbm>> -> memref<2x1000xi32, #tpu.memory_space<hbm>>
      tpu.wait_dma2 semaphore(%run_scoped3A : memref<!tpu.dma_semaphore, #tpu.memory_space<semaphore_mem>>) src(%dma_wait3A_45 : memref<2x1000xi32, #tpu.memory_space<hbm>>) dst(%arg6 : memref<2x1000xi32, #tpu.memory_space<vmem>>)
      tpu.yield
    }) : () -> ()
    %dma_start3A = arith.constant 1 : i32
    %dma_start3A_3 = arith.constant 0 : i32
    %dma_start3A_4 = tpu.memref_slice %arg6[%dma_start3A, %dma_start3A_3] : memref<2x1000xi32, #tpu.memory_space<vmem>> -> memref<1x1000xi32, #tpu.memory_space<vmem>>
    %dma_start3A_5 = tpu.memref_squeeze %dma_start3A_4 : memref<1x1000xi32, #tpu.memory_space<vmem>> -> memref<1000xi32, #tpu.memory_space<vmem>>
    %dma_start3A_6 = arith.constant 0 : i32
    %dma_start3A_7 = arith.constant 0 : i32
    %dma_start3A_8 = tpu.memref_slice %arg2[%arg0, %dma_start3A_6, %dma_start3A_7] : memref<2x10000x32xf32, #tpu.memory_space<hbm>> -> memref<1x10000x32xf32, #tpu.memory_space<hbm>>
    %dma_start3A_9 = tpu.memref_squeeze %dma_start3A_8 : memref<1x10000x32xf32, #tpu.memory_space<hbm>> -> memref<10000x32xf32, #tpu.memory_space<hbm>>
    %dma_start3A_10 = arith.constant 0 : i32
    %dma_start3A_11 = arith.constant 0 : i32
    %dma_start3A_12 = tpu.memref_slice %dma_start3A_9[%dma_start3A_10, %dma_start3A_11] : memref<10000x32xf32, #tpu.memory_space<hbm>> -> memref<10000x32xf32, #tpu.memory_space<hbm>>
    tpu.enqueue_indirect_dma source(%dma_start3A_12 : memref<10000x32xf32, #tpu.memory_space<hbm>>) target(%arg8 : memref<1000x32xf32, #tpu.memory_space<vmem>>) offsets(%dma_start3A_5 : memref<1000xi32, #tpu.memory_space<vmem>>) semaphore(%arg10 : memref<!tpu.dma_semaphore, #tpu.memory_space<semaphore_mem>>)
    %add3A = arith.constant 1 : i32
    %add3A_13 = arith.addi %mul3A_0, %add3A : i32
    %dma_start3A_14 = arith.constant 0 : i32
    %dma_start3A_15 = arith.constant 0 : i32
    %dma_start3A_16 = tpu.memref_slice %arg3[%add3A_13, %dma_start3A_14, %dma_start3A_15] : memref<320x2x1000xi32, #tpu.memory_space<hbm>> -> memref<1x2x1000xi32, #tpu.memory_space<hbm>>
    %dma_start3A_17 = tpu.memref_squeeze %dma_start3A_16 : memref<1x2x1000xi32, #tpu.memory_space<hbm>> -> memref<2x1000xi32, #tpu.memory_space<hbm>>
    %dma_start3A_18 = arith.constant 0 : i32
    %dma_start3A_19 = arith.constant 0 : i32
    %dma_start3A_20 = tpu.memref_slice %arg3[%add3A_13, %dma_start3A_18, %dma_start3A_19] : memref<320x2x1000xi32, #tpu.memory_space<hbm>> -> memref<1x2x1000xi32, #tpu.memory_space<hbm>>
    %dma_start3A_21 = tpu.memref_squeeze %dma_start3A_20 : memref<1x2x1000xi32, #tpu.memory_space<hbm>> -> memref<2x1000xi32, #tpu.memory_space<hbm>>
    tpu.enqueue_dma source(%dma_start3A_21 : memref<2x1000xi32, #tpu.memory_space<hbm>>) target(%arg7 : memref<2x1000xi32, #tpu.memory_space<vmem>>) target_semaphore(%arg13 : memref<!tpu.dma_semaphore, #tpu.memory_space<semaphore_mem>>)
    %scan3A = arith.constant 0 : i32
    %scan3A_22 = arith.constant 10 : i32
    %scan3A_23 = arith.addi %scan3A, %scan3A_22 : i32
    %scan3A_24 = arith.constant 1 : i32
    scf.for %scan3A_31 = %scan3A to %scan3A_23 step %scan3A_24  : i32 {
      %mul3A_32 = arith.constant 2 : i32
      %mul3A_33 = arith.muli %scan3A_31, %mul3A_32 : i32
      %add3A_34 = arith.constant 0 : i32
      %add3A_35 = arith.addi %add3A_34, %mul3A_33 : i32
      %dma_wait3A = arith.constant 0 : i32
      %dma_wait3A_36 = arith.constant 0 : i32
      %dma_wait3A_37 = tpu.memref_slice %arg2[%arg0, %dma_wait3A, %dma_wait3A_36] : memref<2x10000x32xf32, #tpu.memory_space<hbm>> -> memref<1x10000x32xf32, #tpu.memory_space<hbm>>
      %dma_wait3A_38 = tpu.memref_squeeze %dma_wait3A_37 : memref<1x10000x32xf32, #tpu.memory_space<hbm>> -> memref<10000x32xf32, #tpu.memory_space<hbm>>
      %dma_wait3A_39 = arith.constant 0 : i32
      %dma_wait3A_40 = arith.constant 0 : i32
      %dma_wait3A_41 = tpu.memref_slice %dma_wait3A_38[%dma_wait3A_39, %dma_wait3A_40] : memref<10000x32xf32, #tpu.memory_space<hbm>> -> memref<1000x32xf32, #tpu.memory_space<hbm>>
      %dma_wait3A_42 = arith.constant 0 : i32
      %dma_wait3A_43 = arith.constant 0 : i32
      %dma_wait3A_44 = tpu.memref_slice %arg2[%arg0, %dma_wait3A_42, %dma_wait3A_43] : memref<2x10000x32xf32, #tpu.memory_space<hbm>> -> memref<1x10000x32xf32, #tpu.memory_space<hbm>>
      %dma_wait3A_45 = tpu.memref_squeeze %dma_wait3A_44 : memref<1x10000x32xf32, #tpu.memory_space<hbm>> -> memref<10000x32xf32, #tpu.memory_space<hbm>>
      %dma_wait3A_46 = arith.constant 0 : i32
      %dma_wait3A_47 = arith.constant 0 : i32
      %dma_wait3A_48 = tpu.memref_slice %dma_wait3A_45[%dma_wait3A_46, %dma_wait3A_47] : memref<10000x32xf32, #tpu.memory_space<hbm>> -> memref<1000x32xf32, #tpu.memory_space<hbm>>
      tpu.wait_dma2 semaphore(%arg10 : memref<!tpu.dma_semaphore, #tpu.memory_space<semaphore_mem>>) src(%dma_wait3A_48 : memref<1000x32xf32, #tpu.memory_space<hbm>>) dst(%arg8 : memref<1000x32xf32, #tpu.memory_space<vmem>>)
      %dma_wait3A_49 = arith.constant 0 : i32
      %dma_wait3A_50 = arith.constant 0 : i32
      %dma_wait3A_51 = arith.constant 0 : i32
      %dma_wait3A_52 = tpu.memref_slice %arg3[%dma_wait3A_49, %dma_wait3A_50, %dma_wait3A_51] : memref<320x2x1000xi32, #tpu.memory_space<hbm>> -> memref<1x2x1000xi32, #tpu.memory_space<hbm>>
      %dma_wait3A_53 = tpu.memref_squeeze %dma_wait3A_52 : memref<1x2x1000xi32, #tpu.memory_space<hbm>> -> memref<2x1000xi32, #tpu.memory_space<hbm>>
      %dma_wait3A_54 = arith.constant 0 : i32
      %dma_wait3A_55 = arith.constant 0 : i32
      %dma_wait3A_56 = tpu.memref_slice %arg3[%dma_wait3A_49, %dma_wait3A_54, %dma_wait3A_55] : memref<320x2x1000xi32, #tpu.memory_space<hbm>> -> memref<1x2x1000xi32, #tpu.memory_space<hbm>>
      %dma_wait3A_57 = tpu.memref_squeeze %dma_wait3A_56 : memref<1x2x1000xi32, #tpu.memory_space<hbm>> -> memref<2x1000xi32, #tpu.memory_space<hbm>>
      tpu.wait_dma2 semaphore(%arg13 : memref<!tpu.dma_semaphore, #tpu.memory_space<semaphore_mem>>) src(%dma_wait3A_57 : memref<2x1000xi32, #tpu.memory_space<hbm>>) dst(%arg7 : memref<2x1000xi32, #tpu.memory_space<vmem>>)
      %dma_start3A_58 = arith.constant 1 : i32
      %dma_start3A_59 = arith.constant 0 : i32
      %dma_start3A_60 = tpu.memref_slice %arg7[%dma_start3A_58, %dma_start3A_59] : memref<2x1000xi32, #tpu.memory_space<vmem>> -> memref<1x1000xi32, #tpu.memory_space<vmem>>
      %dma_start3A_61 = tpu.memref_squeeze %dma_start3A_60 : memref<1x1000xi32, #tpu.memory_space<vmem>> -> memref<1000xi32, #tpu.memory_space<vmem>>
      %dma_start3A_62 = arith.constant 0 : i32
      %dma_start3A_63 = arith.constant 0 : i32
      %dma_start3A_64 = tpu.memref_slice %arg2[%arg0, %dma_start3A_62, %dma_start3A_63] : memref<2x10000x32xf32, #tpu.memory_space<hbm>> -> memref<1x10000x32xf32, #tpu.memory_space<hbm>>
      %dma_start3A_65 = tpu.memref_squeeze %dma_start3A_64 : memref<1x10000x32xf32, #tpu.memory_space<hbm>> -> memref<10000x32xf32, #tpu.memory_space<hbm>>
      %dma_start3A_66 = arith.constant 0 : i32
      %dma_start3A_67 = arith.constant 0 : i32
      %dma_start3A_68 = tpu.memref_slice %dma_start3A_65[%dma_start3A_66, %dma_start3A_67] : memref<10000x32xf32, #tpu.memory_space<hbm>> -> memref<10000x32xf32, #tpu.memory_space<hbm>>
      tpu.enqueue_indirect_dma source(%dma_start3A_68 : memref<10000x32xf32, #tpu.memory_space<hbm>>) target(%arg9 : memref<1000x32xf32, #tpu.memory_space<vmem>>) offsets(%dma_start3A_61 : memref<1000xi32, #tpu.memory_space<vmem>>) semaphore(%arg11 : memref<!tpu.dma_semaphore, #tpu.memory_space<semaphore_mem>>)
      %run_scoped3A = arith.constant 0 : i32
      "tpu.region"() ({
        %run_scoped3A_102 = tpu.sem_alloc : memref<!tpu.dma_semaphore, #tpu.memory_space<semaphore_mem>>
        %dma_start3A_103 = arith.constant 0 : i32
        %dma_start3A_104 = tpu.memref_slice %arg6[%run_scoped3A, %dma_start3A_103] : memref<2x1000xi32, #tpu.memory_space<vmem>> -> memref<1x1000xi32, #tpu.memory_space<vmem>>
        %dma_start3A_105 = tpu.memref_squeeze %dma_start3A_104 : memref<1x1000xi32, #tpu.memory_space<vmem>> -> memref<1000xi32, #tpu.memory_space<vmem>>
        %dma_start3A_106 = arith.constant 0 : i32
        %dma_start3A_107 = arith.constant 0 : i32
        %dma_start3A_108 = tpu.memref_slice %arg14[%dma_start3A_106, %dma_start3A_107] : memref<10000x32xf32, #tpu.memory_space<vmem_shared>> -> memref<10000x32xf32, #tpu.memory_space<vmem_shared>>
        tpu.enqueue_indirect_dma source(%arg8 : memref<1000x32xf32, #tpu.memory_space<vmem>>) target(%dma_start3A_108 : memref<10000x32xf32, #tpu.memory_space<vmem_shared>>) offsets(%dma_start3A_105 : memref<1000xi32, #tpu.memory_space<vmem>>) semaphore(%run_scoped3A_102 : memref<!tpu.dma_semaphore, #tpu.memory_space<semaphore_mem>>) {add = true}
        %dma_wait3A_109 = arith.constant 0 : i32
        %dma_wait3A_110 = tpu.memref_slice %arg6[%run_scoped3A, %dma_wait3A_109] : memref<2x1000xi32, #tpu.memory_space<vmem>> -> memref<1x1000xi32, #tpu.memory_space<vmem>>
        %dma_wait3A_111 = tpu.memref_squeeze %dma_wait3A_110 : memref<1x1000xi32, #tpu.memory_space<vmem>> -> memref<1000xi32, #tpu.memory_space<vmem>>
        %dma_wait3A_112 = arith.constant 0 : i32
        %dma_wait3A_113 = arith.constant 0 : i32
        %dma_wait3A_114 = tpu.memref_slice %arg14[%dma_wait3A_112, %dma_wait3A_113] : memref<10000x32xf32, #tpu.memory_space<vmem_shared>> -> memref<10000x32xf32, #tpu.memory_space<vmem_shared>>
        tpu.wait_indirect_dma semaphore(%run_scoped3A_102 : memref<!tpu.dma_semaphore, #tpu.memory_space<semaphore_mem>>) src(%arg8 : memref<1000x32xf32, #tpu.memory_space<vmem>>) dst(%dma_wait3A_114 : memref<10000x32xf32, #tpu.memory_space<vmem_shared>>)
        tpu.yield
      }) : () -> ()
      %add3A_69 = arith.constant 2 : i32
      %add3A_70 = arith.addi %add3A_35, %add3A_69 : i32
      %lt3A = arith.constant 20 : i32
      %lt3A_71 = arith.cmpi slt, %add3A_70, %lt3A : i32
      %convert_element_type3A = arith.extui %lt3A_71 : i1 to i32
      %cond3A = arith.constant 0 : i32
      %cond3A_72 = arith.cmpi ne, %convert_element_type3A, %cond3A : i32
      scf.if %cond3A_72 {
        %add3A_102 = arith.addi %mul3A_0, %add3A_35 : i32
        %add3A_103 = arith.constant 2 : i32
        %add3A_104 = arith.addi %add3A_102, %add3A_103 : i32
        %dma_start3A_105 = arith.constant 0 : i32
        %dma_start3A_106 = arith.constant 0 : i32
        %dma_start3A_107 = tpu.memref_slice %arg3[%add3A_104, %dma_start3A_105, %dma_start3A_106] : memref<320x2x1000xi32, #tpu.memory_space<hbm>> -> memref<1x2x1000xi32, #tpu.memory_space<hbm>>
        %dma_start3A_108 = tpu.memref_squeeze %dma_start3A_107 : memref<1x2x1000xi32, #tpu.memory_space<hbm>> -> memref<2x1000xi32, #tpu.memory_space<hbm>>
        %dma_start3A_109 = arith.constant 0 : i32
        %dma_start3A_110 = arith.constant 0 : i32
        %dma_start3A_111 = tpu.memref_slice %arg3[%add3A_104, %dma_start3A_109, %dma_start3A_110] : memref<320x2x1000xi32, #tpu.memory_space<hbm>> -> memref<1x2x1000xi32, #tpu.memory_space<hbm>>
        %dma_start3A_112 = tpu.memref_squeeze %dma_start3A_111 : memref<1x2x1000xi32, #tpu.memory_space<hbm>> -> memref<2x1000xi32, #tpu.memory_space<hbm>>
        tpu.enqueue_dma source(%dma_start3A_112 : memref<2x1000xi32, #tpu.memory_space<hbm>>) target(%arg6 : memref<2x1000xi32, #tpu.memory_space<vmem>>) target_semaphore(%arg12 : memref<!tpu.dma_semaphore, #tpu.memory_space<semaphore_mem>>)
      } else {
      }
      %dma_wait3A_73 = arith.constant 0 : i32
      %dma_wait3A_74 = arith.constant 0 : i32
      %dma_wait3A_75 = tpu.memref_slice %arg2[%arg0, %dma_wait3A_73, %dma_wait3A_74] : memref<2x10000x32xf32, #tpu.memory_space<hbm>> -> memref<1x10000x32xf32, #tpu.memory_space<hbm>>
      %dma_wait3A_76 = tpu.memref_squeeze %dma_wait3A_75 : memref<1x10000x32xf32, #tpu.memory_space<hbm>> -> memref<10000x32xf32, #tpu.memory_space<hbm>>
      %dma_wait3A_77 = arith.constant 0 : i32
      %dma_wait3A_78 = arith.constant 0 : i32
      %dma_wait3A_79 = tpu.memref_slice %dma_wait3A_76[%dma_wait3A_77, %dma_wait3A_78] : memref<10000x32xf32, #tpu.memory_space<hbm>> -> memref<1000x32xf32, #tpu.memory_space<hbm>>
      %dma_wait3A_80 = arith.constant 0 : i32
      %dma_wait3A_81 = arith.constant 0 : i32
      %dma_wait3A_82 = tpu.memref_slice %arg2[%arg0, %dma_wait3A_80, %dma_wait3A_81] : memref<2x10000x32xf32, #tpu.memory_space<hbm>> -> memref<1x10000x32xf32, #tpu.memory_space<hbm>>
      %dma_wait3A_83 = tpu.memref_squeeze %dma_wait3A_82 : memref<1x10000x32xf32, #tpu.memory_space<hbm>> -> memref<10000x32xf32, #tpu.memory_space<hbm>>
      %dma_wait3A_84 = arith.constant 0 : i32
      %dma_wait3A_85 = arith.constant 0 : i32
      %dma_wait3A_86 = tpu.memref_slice %dma_wait3A_83[%dma_wait3A_84, %dma_wait3A_85] : memref<10000x32xf32, #tpu.memory_space<hbm>> -> memref<1000x32xf32, #tpu.memory_space<hbm>>
      tpu.wait_dma2 semaphore(%arg11 : memref<!tpu.dma_semaphore, #tpu.memory_space<semaphore_mem>>) src(%dma_wait3A_86 : memref<1000x32xf32, #tpu.memory_space<hbm>>) dst(%arg9 : memref<1000x32xf32, #tpu.memory_space<vmem>>)
      %add3A_87 = arith.constant 2 : i32
      %add3A_88 = arith.addi %add3A_35, %add3A_87 : i32
      %lt3A_89 = arith.constant 20 : i32
      %lt3A_90 = arith.cmpi slt, %add3A_88, %lt3A_89 : i32
      %convert_element_type3A_91 = arith.extui %lt3A_90 : i1 to i32
      %cond3A_92 = arith.constant 0 : i32
      %cond3A_93 = arith.cmpi ne, %convert_element_type3A_91, %cond3A_92 : i32
      scf.if %cond3A_93 {
        %dma_wait3A_102 = arith.constant 0 : i32
        %dma_wait3A_103 = arith.constant 0 : i32
        %dma_wait3A_104 = arith.constant 0 : i32
        %dma_wait3A_105 = tpu.memref_slice %arg3[%dma_wait3A_102, %dma_wait3A_103, %dma_wait3A_104] : memref<320x2x1000xi32, #tpu.memory_space<hbm>> -> memref<1x2x1000xi32, #tpu.memory_space<hbm>>
        %dma_wait3A_106 = tpu.memref_squeeze %dma_wait3A_105 : memref<1x2x1000xi32, #tpu.memory_space<hbm>> -> memref<2x1000xi32, #tpu.memory_space<hbm>>
        %dma_wait3A_107 = arith.constant 0 : i32
        %dma_wait3A_108 = arith.constant 0 : i32
        %dma_wait3A_109 = tpu.memref_slice %arg3[%dma_wait3A_102, %dma_wait3A_107, %dma_wait3A_108] : memref<320x2x1000xi32, #tpu.memory_space<hbm>> -> memref<1x2x1000xi32, #tpu.memory_space<hbm>>
        %dma_wait3A_110 = tpu.memref_squeeze %dma_wait3A_109 : memref<1x2x1000xi32, #tpu.memory_space<hbm>> -> memref<2x1000xi32, #tpu.memory_space<hbm>>
        tpu.wait_dma2 semaphore(%arg12 : memref<!tpu.dma_semaphore, #tpu.memory_space<semaphore_mem>>) src(%dma_wait3A_110 : memref<2x1000xi32, #tpu.memory_space<hbm>>) dst(%arg6 : memref<2x1000xi32, #tpu.memory_space<vmem>>)
        %dma_start3A_111 = arith.constant 1 : i32
        %dma_start3A_112 = arith.constant 0 : i32
        %dma_start3A_113 = tpu.memref_slice %arg6[%dma_start3A_111, %dma_start3A_112] : memref<2x1000xi32, #tpu.memory_space<vmem>> -> memref<1x1000xi32, #tpu.memory_space<vmem>>
        %dma_start3A_114 = tpu.memref_squeeze %dma_start3A_113 : memref<1x1000xi32, #tpu.memory_space<vmem>> -> memref<1000xi32, #tpu.memory_space<vmem>>
        %dma_start3A_115 = arith.constant 0 : i32
        %dma_start3A_116 = arith.constant 0 : i32
        %dma_start3A_117 = tpu.memref_slice %arg2[%arg0, %dma_start3A_115, %dma_start3A_116] : memref<2x10000x32xf32, #tpu.memory_space<hbm>> -> memref<1x10000x32xf32, #tpu.memory_space<hbm>>
        %dma_start3A_118 = tpu.memref_squeeze %dma_start3A_117 : memref<1x10000x32xf32, #tpu.memory_space<hbm>> -> memref<10000x32xf32, #tpu.memory_space<hbm>>
        %dma_start3A_119 = arith.constant 0 : i32
        %dma_start3A_120 = arith.constant 0 : i32
        %dma_start3A_121 = tpu.memref_slice %dma_start3A_118[%dma_start3A_119, %dma_start3A_120] : memref<10000x32xf32, #tpu.memory_space<hbm>> -> memref<10000x32xf32, #tpu.memory_space<hbm>>
        tpu.enqueue_indirect_dma source(%dma_start3A_121 : memref<10000x32xf32, #tpu.memory_space<hbm>>) target(%arg8 : memref<1000x32xf32, #tpu.memory_space<vmem>>) offsets(%dma_start3A_114 : memref<1000xi32, #tpu.memory_space<vmem>>) semaphore(%arg10 : memref<!tpu.dma_semaphore, #tpu.memory_space<semaphore_mem>>)
      } else {
      }
      %run_scoped3A_94 = arith.constant 0 : i32
      "tpu.region"() ({
        %run_scoped3A_102 = tpu.sem_alloc : memref<!tpu.dma_semaphore, #tpu.memory_space<semaphore_mem>>
        %dma_start3A_103 = arith.constant 0 : i32
        %dma_start3A_104 = tpu.memref_slice %arg7[%run_scoped3A_94, %dma_start3A_103] : memref<2x1000xi32, #tpu.memory_space<vmem>> -> memref<1x1000xi32, #tpu.memory_space<vmem>>
        %dma_start3A_105 = tpu.memref_squeeze %dma_start3A_104 : memref<1x1000xi32, #tpu.memory_space<vmem>> -> memref<1000xi32, #tpu.memory_space<vmem>>
        %dma_start3A_106 = arith.constant 0 : i32
        %dma_start3A_107 = arith.constant 0 : i32
        %dma_start3A_108 = tpu.memref_slice %arg14[%dma_start3A_106, %dma_start3A_107] : memref<10000x32xf32, #tpu.memory_space<vmem_shared>> -> memref<10000x32xf32, #tpu.memory_space<vmem_shared>>
        tpu.enqueue_indirect_dma source(%arg9 : memref<1000x32xf32, #tpu.memory_space<vmem>>) target(%dma_start3A_108 : memref<10000x32xf32, #tpu.memory_space<vmem_shared>>) offsets(%dma_start3A_105 : memref<1000xi32, #tpu.memory_space<vmem>>) semaphore(%run_scoped3A_102 : memref<!tpu.dma_semaphore, #tpu.memory_space<semaphore_mem>>) {add = true}
        %dma_wait3A_109 = arith.constant 0 : i32
        %dma_wait3A_110 = tpu.memref_slice %arg7[%run_scoped3A_94, %dma_wait3A_109] : memref<2x1000xi32, #tpu.memory_space<vmem>> -> memref<1x1000xi32, #tpu.memory_space<vmem>>
        %dma_wait3A_111 = tpu.memref_squeeze %dma_wait3A_110 : memref<1x1000xi32, #tpu.memory_space<vmem>> -> memref<1000xi32, #tpu.memory_space<vmem>>
        %dma_wait3A_112 = arith.constant 0 : i32
        %dma_wait3A_113 = arith.constant 0 : i32
        %dma_wait3A_114 = tpu.memref_slice %arg14[%dma_wait3A_112, %dma_wait3A_113] : memref<10000x32xf32, #tpu.memory_space<vmem_shared>> -> memref<10000x32xf32, #tpu.memory_space<vmem_shared>>
        tpu.wait_indirect_dma semaphore(%run_scoped3A_102 : memref<!tpu.dma_semaphore, #tpu.memory_space<semaphore_mem>>) src(%arg9 : memref<1000x32xf32, #tpu.memory_space<vmem>>) dst(%dma_wait3A_114 : memref<10000x32xf32, #tpu.memory_space<vmem_shared>>)
        tpu.yield
      }) : () -> ()
      %add3A_95 = arith.constant 3 : i32
      %add3A_96 = arith.addi %add3A_35, %add3A_95 : i32
      %lt3A_97 = arith.constant 20 : i32
      %lt3A_98 = arith.cmpi slt, %add3A_96, %lt3A_97 : i32
      %convert_element_type3A_99 = arith.extui %lt3A_98 : i1 to i32
      %cond3A_100 = arith.constant 0 : i32
      %cond3A_101 = arith.cmpi ne, %convert_element_type3A_99, %cond3A_100 : i32
      scf.if %cond3A_101 {
        %add3A_102 = arith.addi %mul3A_0, %add3A_35 : i32
        %add3A_103 = arith.constant 3 : i32
        %add3A_104 = arith.addi %add3A_102, %add3A_103 : i32
        %dma_start3A_105 = arith.constant 0 : i32
        %dma_start3A_106 = arith.constant 0 : i32
        %dma_start3A_107 = tpu.memref_slice %arg3[%add3A_104, %dma_start3A_105, %dma_start3A_106] : memref<320x2x1000xi32, #tpu.memory_space<hbm>> -> memref<1x2x1000xi32, #tpu.memory_space<hbm>>
        %dma_start3A_108 = tpu.memref_squeeze %dma_start3A_107 : memref<1x2x1000xi32, #tpu.memory_space<hbm>> -> memref<2x1000xi32, #tpu.memory_space<hbm>>
        %dma_start3A_109 = arith.constant 0 : i32
        %dma_start3A_110 = arith.constant 0 : i32
        %dma_start3A_111 = tpu.memref_slice %arg3[%add3A_104, %dma_start3A_109, %dma_start3A_110] : memref<320x2x1000xi32, #tpu.memory_space<hbm>> -> memref<1x2x1000xi32, #tpu.memory_space<hbm>>
        %dma_start3A_112 = tpu.memref_squeeze %dma_start3A_111 : memref<1x2x1000xi32, #tpu.memory_space<hbm>> -> memref<2x1000xi32, #tpu.memory_space<hbm>>
        tpu.enqueue_dma source(%dma_start3A_112 : memref<2x1000xi32, #tpu.memory_space<hbm>>) target(%arg7 : memref<2x1000xi32, #tpu.memory_space<vmem>>) target_semaphore(%arg13 : memref<!tpu.dma_semaphore, #tpu.memory_space<semaphore_mem>>)
      } else {
      }
    }
    %scan3A_25 = arith.constant 10 : i32
    %barrier3A_26 = arith.constant 0 : index
    tpu.barrier barrier_id(%barrier3A_26)
    %mul3A_27 = arith.constant 625 : i32
    %mul3A_28 = arith.muli %arg1, %mul3A_27 : i32
    %mul3A_29 = arith.constant 625 : i32
    %mul3A_30 = arith.muli %arg1, %mul3A_29 : i32
    "tpu.region"() ({
      %run_scoped3A = tpu.sem_alloc : memref<!tpu.dma_semaphore, #tpu.memory_space<semaphore_mem>>
      %dma_start3A_31 = arith.constant 0 : i32
      %dma_start3A_32 = tpu.memref_slice %arg5[%arg0, %mul3A_30, %dma_start3A_31] : memref<2x10000x32xf32, #tpu.memory_space<hbm>> -> memref<1x625x32xf32, #tpu.memory_space<hbm>>
      %dma_start3A_33 = tpu.memref_squeeze %dma_start3A_32 : memref<1x625x32xf32, #tpu.memory_space<hbm>> -> memref<625x32xf32, #tpu.memory_space<hbm>>
      %dma_start3A_34 = arith.constant 0 : i32
      %dma_start3A_35 = tpu.memref_slice %arg14[%mul3A_28, %dma_start3A_34] : memref<10000x32xf32, #tpu.memory_space<vmem_shared>> -> memref<625x32xf32, #tpu.memory_space<vmem_shared>>
      tpu.enqueue_dma source(%dma_start3A_35 : memref<625x32xf32, #tpu.memory_space<vmem_shared>>) target(%dma_start3A_33 : memref<625x32xf32, #tpu.memory_space<hbm>>) target_semaphore(%run_scoped3A : memref<!tpu.dma_semaphore, #tpu.memory_space<semaphore_mem>>)
      %dma_wait3A = arith.constant 0 : i32
      %dma_wait3A_36 = tpu.memref_slice %arg5[%arg0, %mul3A_30, %dma_wait3A] : memref<2x10000x32xf32, #tpu.memory_space<hbm>> -> memref<1x625x32xf32, #tpu.memory_space<hbm>>
      %dma_wait3A_37 = tpu.memref_squeeze %dma_wait3A_36 : memref<1x625x32xf32, #tpu.memory_space<hbm>> -> memref<625x32xf32, #tpu.memory_space<hbm>>
      %dma_wait3A_38 = arith.constant 0 : i32
      %dma_wait3A_39 = tpu.memref_slice %arg14[%mul3A_28, %dma_wait3A_38] : memref<10000x32xf32, #tpu.memory_space<vmem_shared>> -> memref<625x32xf32, #tpu.memory_space<vmem_shared>>
      tpu.wait_dma2 semaphore(%run_scoped3A : memref<!tpu.dma_semaphore, #tpu.memory_space<semaphore_mem>>) src(%dma_wait3A_39 : memref<625x32xf32, #tpu.memory_space<vmem_shared>>) dst(%dma_wait3A_37 : memref<625x32xf32, #tpu.memory_space<hbm>>)
      tpu.yield
    }) : () -> ()
    return
  }
}

module attributes {stable_mosaic.version = 14 : i64} {
  func.func @_mm1_body(%arg0: i32, %arg1: memref<2x2000x1xf32, #tpu.memory_space<vmem>>, %arg2: memref<2000x128xf32, #tpu.memory_space<vmem>>, %arg3: memref<128x128xf32, #tpu.memory_space<vmem>>, %arg4: memref<2x2000x64xf32, #tpu.memory_space<vmem>>, %arg5: memref<2000x1xf32, #tpu.memory_space<vmem>>) attributes {dimension_semantics = [#tpu.dimension_semantics<arbitrary>], iteration_bounds = array<i64: 5>, scalar_prefetch = 0 : i64, scratch_operands = 0 : i64, tpu.core_type = #tpu.core_type<tc>, window_params = [{transform_indices = @transform_0, window_bounds = array<i64: 2, 2000, 1>}, {transform_indices = @transform_1, window_bounds = array<i64: 2000, 128>}, {pipeline_mode = #tpu.pipeline_mode<synchronous>, transform_indices = @transform_2, window_bounds = array<i64: 128, 128>}, {transform_indices = @transform_3, window_bounds = array<i64: 2, 2000, 64>}, {transform_indices = @transform_4, window_bounds = array<i64: 2000, 1>}]} {
    %get3A = arith.constant 0 : index
    %get3A_0 = arith.constant 0 : index
    %get3A_1 = arith.constant 0 : index
    %get3A_2 = vector.load %arg1[%get3A, %get3A_0, %get3A_1] : memref<2x2000x1xf32, #tpu.memory_space<vmem>>, vector<1x2000x1xf32>
    %get3A_3 = vector.shape_cast %get3A_2 : vector<1x2000x1xf32> to vector<2000x1xf32>
    %get3A_4 = arith.constant 1 : index
    %get3A_5 = arith.constant 0 : index
    %get3A_6 = arith.constant 0 : index
    %get3A_7 = vector.load %arg1[%get3A_4, %get3A_5, %get3A_6] : memref<2x2000x1xf32, #tpu.memory_space<vmem>>, vector<1x2000x1xf32>
    %get3A_8 = vector.shape_cast %get3A_7 : vector<1x2000x1xf32> to vector<2000x1xf32>
    %add3A = arith.addf %get3A_3, %get3A_8 : vector<2000x1xf32>
    %add3A_9 = arith.constant 1.000000e+00 : f32
    %add3A_10 = vector.broadcast %add3A_9 : f32 to vector<2000x1xf32>
    %add3A_11 = arith.addf %add3A, %add3A_10 : vector<2000x1xf32>
    %rsqrt3A = math.rsqrt %add3A_11 : vector<2000x1xf32>
    %get3A_12 = arith.constant 0 : index
    %get3A_13 = arith.constant 0 : index
    %get3A_14 = vector.load %arg2[%get3A_12, %get3A_13] : memref<2000x128xf32, #tpu.memory_space<vmem>>, vector<2000x128xf32>
    %get3A_15 = arith.constant 0 : index
    %get3A_16 = arith.constant 0 : index
    %get3A_17 = vector.load %arg3[%get3A_15, %get3A_16] : memref<128x128xf32, #tpu.memory_space<vmem>>, vector<128x128xf32>
    %dot_general3A = arith.constant dense<0.000000e+00> : vector<2000x128xf32>
    %dot_general3A_18 = tpu.matmul %get3A_14, %get3A_17, %dot_general3A {dimension_numbers = #tpu.dot_dimension_numbers<[1], [0], [0], [1], [0, 0, 1, 1], [], []>, transpose_lhs_hint = false} : vector<2000x128xf32>, vector<128x128xf32>, vector<2000x128xf32> -> vector<2000x128xf32>
    %mul3A = vector.broadcast %rsqrt3A : vector<2000x1xf32> to vector<2000x128xf32>
    %mul3A_19 = arith.mulf %dot_general3A_18, %mul3A : vector<2000x128xf32>
    %slice3A = vector.extract_strided_slice %mul3A_19 {offsets = [0, 0], sizes = [2000, 64], strides = [1, 1]} : vector<2000x128xf32> to vector<2000x64xf32>
    %swap3A = arith.constant 0 : index
    %swap3A_20 = arith.constant 0 : index
    %swap3A_21 = arith.constant 0 : index
    %swap3A_22 = vector.load %arg4[%swap3A, %swap3A_20, %swap3A_21] : memref<2x2000x64xf32, #tpu.memory_space<vmem>>, vector<1x2000x64xf32>
    %swap3A_23 = vector.shape_cast %swap3A_22 : vector<1x2000x64xf32> to vector<2000x64xf32>
    %swap3A_24 = vector.shape_cast %slice3A : vector<2000x64xf32> to vector<1x2000x64xf32>
    tpu.vector_store %arg4[%swap3A, %swap3A_20, %swap3A_21], %swap3A_24 {strides = array<i32>} : memref<2x2000x64xf32, #tpu.memory_space<vmem>>, vector<1x2000x64xf32>,
    %slice3A_25 = vector.extract_strided_slice %mul3A_19 {offsets = [0, 64], sizes = [2000, 64], strides = [1, 1]} : vector<2000x128xf32> to vector<2000x64xf32>
    %swap3A_26 = arith.constant 1 : index
    %swap3A_27 = arith.constant 0 : index
    %swap3A_28 = arith.constant 0 : index
    %swap3A_29 = vector.load %arg4[%swap3A_26, %swap3A_27, %swap3A_28] : memref<2x2000x64xf32, #tpu.memory_space<vmem>>, vector<1x2000x64xf32>
    %swap3A_30 = vector.shape_cast %swap3A_29 : vector<1x2000x64xf32> to vector<2000x64xf32>
    %swap3A_31 = vector.shape_cast %slice3A_25 : vector<2000x64xf32> to vector<1x2000x64xf32>
    tpu.vector_store %arg4[%swap3A_26, %swap3A_27, %swap3A_28], %swap3A_31 {strides = array<i32>} : memref<2x2000x64xf32, #tpu.memory_space<vmem>>, vector<1x2000x64xf32>,
    %swap3A_32 = arith.constant 0 : index
    %swap3A_33 = arith.constant 0 : index
    %swap3A_34 = vector.load %arg5[%swap3A_32, %swap3A_33] : memref<2000x1xf32, #tpu.memory_space<vmem>>, vector<2000x1xf32>
    tpu.vector_store %arg5[%swap3A_32, %swap3A_33], %rsqrt3A {strides = array<i32>} : memref<2000x1xf32, #tpu.memory_space<vmem>>, vector<2000x1xf32>,
    return
  }
  func.func @transform_0(%arg0: i32) -> (i32, i32, i32) {
    %c0_i32 = arith.constant 0 : i32
    %c0_i32_0 = arith.constant 0 : i32
    %c0_i32_1 = arith.constant 0 : i32
    return %c0_i32, %arg0, %c0_i32_0 : i32, i32, i32
  }
  func.func @transform_1(%arg0: i32) -> (i32, i32) {
    %c0_i32 = arith.constant 0 : i32
    %c0_i32_0 = arith.constant 0 : i32
    return %arg0, %c0_i32 : i32, i32
  }
  func.func @transform_2(%arg0: i32) -> (i32, i32) {
    %c0_i32 = arith.constant 0 : i32
    %c0_i32_0 = arith.constant 0 : i32
    %c0_i32_1 = arith.constant 0 : i32
    return %c0_i32, %c0_i32_0 : i32, i32
  }
  func.func @transform_3(%arg0: i32) -> (i32, i32, i32) {
    %c0_i32 = arith.constant 0 : i32
    %c0_i32_0 = arith.constant 0 : i32
    %c0_i32_1 = arith.constant 0 : i32
    return %c0_i32, %arg0, %c0_i32_0 : i32, i32, i32
  }
  func.func @transform_4(%arg0: i32) -> (i32, i32) {
    %c0_i32 = arith.constant 0 : i32
    %c0_i32_0 = arith.constant 0 : i32
    return %arg0, %c0_i32 : i32, i32
  }
}

module attributes {stable_mosaic.version = 14 : i64} {
  func.func @_mid_body(%arg0: i32, %arg1: memref<2000x1xf32, #tpu.memory_space<vmem>>, %arg2: memref<2x2000x64xf32, #tpu.memory_space<vmem>>, %arg3: memref<2x2000x64xf32, #tpu.memory_space<vmem>>, %arg4: memref<1x128xf32, #tpu.memory_space<vmem>>, %arg5: memref<128x64xf32, #tpu.memory_space<vmem>>, %arg6: memref<2x2000x32xf32, #tpu.memory_space<vmem>>) attributes {dimension_semantics = [#tpu.dimension_semantics<arbitrary>], iteration_bounds = array<i64: 5>, scalar_prefetch = 0 : i64, scratch_operands = 0 : i64, tpu.core_type = #tpu.core_type<tc>, window_params = [{transform_indices = @transform_0, window_bounds = array<i64: 2000, 1>}, {transform_indices = @transform_1, window_bounds = array<i64: 2, 2000, 64>}, {transform_indices = @transform_2, window_bounds = array<i64: 2, 2000, 64>}, {pipeline_mode = #tpu.pipeline_mode<synchronous>, transform_indices = @transform_3, window_bounds = array<i64: 1, 128>}, {pipeline_mode = #tpu.pipeline_mode<synchronous>, transform_indices = @transform_4, window_bounds = array<i64: 128, 64>}, {transform_indices = @transform_5, window_bounds = array<i64: 2, 2000, 32>}]} {
    %get3A = arith.constant 0 : index
    %get3A_0 = arith.constant 0 : index
    %get3A_1 = vector.load %arg1[%get3A, %get3A_0] : memref<2000x1xf32, #tpu.memory_space<vmem>>, vector<2000x1xf32>
    %get3A_2 = arith.constant 0 : index
    %get3A_3 = arith.constant 0 : index
    %get3A_4 = arith.constant 0 : index
    %get3A_5 = vector.load %arg2[%get3A_2, %get3A_3, %get3A_4] : memref<2x2000x64xf32, #tpu.memory_space<vmem>>, vector<1x2000x64xf32>
    %get3A_6 = vector.shape_cast %get3A_5 : vector<1x2000x64xf32> to vector<2000x64xf32>
    %get3A_7 = arith.constant 0 : index
    %get3A_8 = arith.constant 0 : index
    %get3A_9 = arith.constant 0 : index
    %get3A_10 = vector.load %arg3[%get3A_7, %get3A_8, %get3A_9] : memref<2x2000x64xf32, #tpu.memory_space<vmem>>, vector<1x2000x64xf32>
    %get3A_11 = vector.shape_cast %get3A_10 : vector<1x2000x64xf32> to vector<2000x64xf32>
    %add3A = arith.addf %get3A_6, %get3A_11 : vector<2000x64xf32>
    %get3A_12 = arith.constant 1 : index
    %get3A_13 = arith.constant 0 : index
    %get3A_14 = arith.constant 0 : index
    %get3A_15 = vector.load %arg2[%get3A_12, %get3A_13, %get3A_14] : memref<2x2000x64xf32, #tpu.memory_space<vmem>>, vector<1x2000x64xf32>
    %get3A_16 = vector.shape_cast %get3A_15 : vector<1x2000x64xf32> to vector<2000x64xf32>
    %get3A_17 = arith.constant 1 : index
    %get3A_18 = arith.constant 0 : index
    %get3A_19 = arith.constant 0 : index
    %get3A_20 = vector.load %arg3[%get3A_17, %get3A_18, %get3A_19] : memref<2x2000x64xf32, #tpu.memory_space<vmem>>, vector<1x2000x64xf32>
    %get3A_21 = vector.shape_cast %get3A_20 : vector<1x2000x64xf32> to vector<2000x64xf32>
    %add3A_22 = arith.addf %get3A_16, %get3A_21 : vector<2000x64xf32>
    %concatenate3A = tpu.concatenate %add3A, %add3A_22 in 1 : vector<2000x64xf32>, vector<2000x64xf32> -> vector<2000x128xf32>
    %mul3A = vector.broadcast %get3A_1 : vector<2000x1xf32> to vector<2000x128xf32>
    %mul3A_23 = arith.mulf %concatenate3A, %mul3A : vector<2000x128xf32>
    %get3A_24 = arith.constant 0 : index
    %get3A_25 = arith.constant 0 : index
    %get3A_26 = vector.load %arg4[%get3A_24, %get3A_25] : memref<1x128xf32, #tpu.memory_space<vmem>>, vector<1x128xf32>
    %add3A_27 = vector.broadcast %get3A_26 : vector<1x128xf32> to vector<2000x128xf32>
    %add3A_28 = arith.addf %mul3A_23, %add3A_27 : vector<2000x128xf32>
    %max3A = arith.constant 0.000000e+00 : f32
    %max3A_29 = vector.broadcast %max3A : f32 to vector<2000x128xf32>
    %max3A_30 = arith.maximumf %add3A_28, %max3A_29 : vector<2000x128xf32>
    %get3A_31 = arith.constant 0 : index
    %get3A_32 = arith.constant 0 : index
    %get3A_33 = vector.load %arg5[%get3A_31, %get3A_32] : memref<128x64xf32, #tpu.memory_space<vmem>>, vector<128x64xf32>
    %dot_general3A = arith.constant dense<0.000000e+00> : vector<2000x64xf32>
    %dot_general3A_34 = tpu.matmul %max3A_30, %get3A_33, %dot_general3A {dimension_numbers = #tpu.dot_dimension_numbers<[1], [0], [0], [1], [0, 0, 1, 1], [], []>, transpose_lhs_hint = false} : vector<2000x128xf32>, vector<128x64xf32>, vector<2000x64xf32> -> vector<2000x64xf32>
    %mul3A_35 = vector.broadcast %get3A_1 : vector<2000x1xf32> to vector<2000x64xf32>
    %mul3A_36 = arith.mulf %dot_general3A_34, %mul3A_35 : vector<2000x64xf32>
    %slice3A = vector.extract_strided_slice %mul3A_36 {offsets = [0, 0], sizes = [2000, 32], strides = [1, 1]} : vector<2000x64xf32> to vector<2000x32xf32>
    %swap3A = arith.constant 0 : index
    %swap3A_37 = arith.constant 0 : index
    %swap3A_38 = arith.constant 0 : index
    %swap3A_39 = vector.load %arg6[%swap3A, %swap3A_37, %swap3A_38] : memref<2x2000x32xf32, #tpu.memory_space<vmem>>, vector<1x2000x32xf32>
    %swap3A_40 = vector.shape_cast %swap3A_39 : vector<1x2000x32xf32> to vector<2000x32xf32>
    %swap3A_41 = vector.shape_cast %slice3A : vector<2000x32xf32> to vector<1x2000x32xf32>
    tpu.vector_store %arg6[%swap3A, %swap3A_37, %swap3A_38], %swap3A_41 {strides = array<i32>} : memref<2x2000x32xf32, #tpu.memory_space<vmem>>, vector<1x2000x32xf32>,
    %slice3A_42 = vector.extract_strided_slice %mul3A_36 {offsets = [0, 32], sizes = [2000, 32], strides = [1, 1]} : vector<2000x64xf32> to vector<2000x32xf32>
    %swap3A_43 = arith.constant 1 : index
    %swap3A_44 = arith.constant 0 : index
    %swap3A_45 = arith.constant 0 : index
    %swap3A_46 = vector.load %arg6[%swap3A_43, %swap3A_44, %swap3A_45] : memref<2x2000x32xf32, #tpu.memory_space<vmem>>, vector<1x2000x32xf32>
    %swap3A_47 = vector.shape_cast %swap3A_46 : vector<1x2000x32xf32> to vector<2000x32xf32>
    %swap3A_48 = vector.shape_cast %slice3A_42 : vector<2000x32xf32> to vector<1x2000x32xf32>
    tpu.vector_store %arg6[%swap3A_43, %swap3A_44, %swap3A_45], %swap3A_48 {strides = array<i32>} : memref<2x2000x32xf32, #tpu.memory_space<vmem>>, vector<1x2000x32xf32>,
    return
  }
  func.func @transform_0(%arg0: i32) -> (i32, i32) {
    %c0_i32 = arith.constant 0 : i32
    %c0_i32_0 = arith.constant 0 : i32
    return %arg0, %c0_i32 : i32, i32
  }
  func.func @transform_1(%arg0: i32) -> (i32, i32, i32) {
    %c0_i32 = arith.constant 0 : i32
    %c0_i32_0 = arith.constant 0 : i32
    %c0_i32_1 = arith.constant 0 : i32
    return %c0_i32, %arg0, %c0_i32_0 : i32, i32, i32
  }
  func.func @transform_2(%arg0: i32) -> (i32, i32, i32) {
    %c0_i32 = arith.constant 0 : i32
    %c0_i32_0 = arith.constant 0 : i32
    %c0_i32_1 = arith.constant 0 : i32
    return %c0_i32, %arg0, %c0_i32_0 : i32, i32, i32
  }
  func.func @transform_3(%arg0: i32) -> (i32, i32) {
    %c0_i32 = arith.constant 0 : i32
    %c0_i32_0 = arith.constant 0 : i32
    %c0_i32_1 = arith.constant 0 : i32
    return %c0_i32, %c0_i32_0 : i32, i32
  }
  func.func @transform_4(%arg0: i32) -> (i32, i32) {
    %c0_i32 = arith.constant 0 : i32
    %c0_i32_0 = arith.constant 0 : i32
    %c0_i32_1 = arith.constant 0 : i32
    return %c0_i32, %c0_i32_0 : i32, i32
  }
  func.func @transform_5(%arg0: i32) -> (i32, i32, i32) {
    %c0_i32 = arith.constant 0 : i32
    %c0_i32_0 = arith.constant 0 : i32
    %c0_i32_1 = arith.constant 0 : i32
    return %c0_i32, %arg0, %c0_i32_0 : i32, i32, i32
  }
}

module attributes {stable_mosaic.version = 14 : i64} {
  func.func @_final_body(%arg0: i32, %arg1: memref<2000x1xf32, #tpu.memory_space<vmem>>, %arg2: memref<2x2000x32xf32, #tpu.memory_space<vmem>>, %arg3: memref<2x2000x32xf32, #tpu.memory_space<vmem>>, %arg4: memref<1x64xf32, #tpu.memory_space<vmem>>, %arg5: memref<2000x64xf32, #tpu.memory_space<vmem>>) attributes {dimension_semantics = [#tpu.dimension_semantics<arbitrary>], iteration_bounds = array<i64: 5>, scalar_prefetch = 0 : i64, scratch_operands = 0 : i64, tpu.core_type = #tpu.core_type<tc>, window_params = [{transform_indices = @transform_0, window_bounds = array<i64: 2000, 1>}, {transform_indices = @transform_1, window_bounds = array<i64: 2, 2000, 32>}, {transform_indices = @transform_2, window_bounds = array<i64: 2, 2000, 32>}, {pipeline_mode = #tpu.pipeline_mode<synchronous>, transform_indices = @transform_3, window_bounds = array<i64: 1, 64>}, {transform_indices = @transform_4, window_bounds = array<i64: 2000, 64>}]} {
    %get3A = arith.constant 0 : index
    %get3A_0 = arith.constant 0 : index
    %get3A_1 = vector.load %arg1[%get3A, %get3A_0] : memref<2000x1xf32, #tpu.memory_space<vmem>>, vector<2000x1xf32>
    %get3A_2 = arith.constant 0 : index
    %get3A_3 = arith.constant 0 : index
    %get3A_4 = arith.constant 0 : index
    %get3A_5 = vector.load %arg2[%get3A_2, %get3A_3, %get3A_4] : memref<2x2000x32xf32, #tpu.memory_space<vmem>>, vector<1x2000x32xf32>
    %get3A_6 = vector.shape_cast %get3A_5 : vector<1x2000x32xf32> to vector<2000x32xf32>
    %get3A_7 = arith.constant 0 : index
    %get3A_8 = arith.constant 0 : index
    %get3A_9 = arith.constant 0 : index
    %get3A_10 = vector.load %arg3[%get3A_7, %get3A_8, %get3A_9] : memref<2x2000x32xf32, #tpu.memory_space<vmem>>, vector<1x2000x32xf32>
    %get3A_11 = vector.shape_cast %get3A_10 : vector<1x2000x32xf32> to vector<2000x32xf32>
    %add3A = arith.addf %get3A_6, %get3A_11 : vector<2000x32xf32>
    %get3A_12 = arith.constant 1 : index
    %get3A_13 = arith.constant 0 : index
    %get3A_14 = arith.constant 0 : index
    %get3A_15 = vector.load %arg2[%get3A_12, %get3A_13, %get3A_14] : memref<2x2000x32xf32, #tpu.memory_space<vmem>>, vector<1x2000x32xf32>
    %get3A_16 = vector.shape_cast %get3A_15 : vector<1x2000x32xf32> to vector<2000x32xf32>
    %get3A_17 = arith.constant 1 : index
    %get3A_18 = arith.constant 0 : index
    %get3A_19 = arith.constant 0 : index
    %get3A_20 = vector.load %arg3[%get3A_17, %get3A_18, %get3A_19] : memref<2x2000x32xf32, #tpu.memory_space<vmem>>, vector<1x2000x32xf32>
    %get3A_21 = vector.shape_cast %get3A_20 : vector<1x2000x32xf32> to vector<2000x32xf32>
    %add3A_22 = arith.addf %get3A_16, %get3A_21 : vector<2000x32xf32>
    %concatenate3A = tpu.concatenate %add3A, %add3A_22 in 1 : vector<2000x32xf32>, vector<2000x32xf32> -> vector<2000x64xf32>
    %mul3A = vector.broadcast %get3A_1 : vector<2000x1xf32> to vector<2000x64xf32>
    %mul3A_23 = arith.mulf %concatenate3A, %mul3A : vector<2000x64xf32>
    %get3A_24 = arith.constant 0 : index
    %get3A_25 = arith.constant 0 : index
    %get3A_26 = vector.load %arg4[%get3A_24, %get3A_25] : memref<1x64xf32, #tpu.memory_space<vmem>>, vector<1x64xf32>
    %add3A_27 = vector.broadcast %get3A_26 : vector<1x64xf32> to vector<2000x64xf32>
    %add3A_28 = arith.addf %mul3A_23, %add3A_27 : vector<2000x64xf32>
    %swap3A = arith.constant 0 : index
    %swap3A_29 = arith.constant 0 : index
    %swap3A_30 = vector.load %arg5[%swap3A, %swap3A_29] : memref<2000x64xf32, #tpu.memory_space<vmem>>, vector<2000x64xf32>
    tpu.vector_store %arg5[%swap3A, %swap3A_29], %add3A_28 {strides = array<i32>} : memref<2000x64xf32, #tpu.memory_space<vmem>>, vector<2000x64xf32>,
    return
  }
  func.func @transform_0(%arg0: i32) -> (i32, i32) {
    %c0_i32 = arith.constant 0 : i32
    %c0_i32_0 = arith.constant 0 : i32
    return %arg0, %c0_i32 : i32, i32
  }
  func.func @transform_1(%arg0: i32) -> (i32, i32, i32) {
    %c0_i32 = arith.constant 0 : i32
    %c0_i32_0 = arith.constant 0 : i32
    %c0_i32_1 = arith.constant 0 : i32
    return %c0_i32, %arg0, %c0_i32_0 : i32, i32, i32
  }
  func.func @transform_2(%arg0: i32) -> (i32, i32, i32) {
    %c0_i32 = arith.constant 0 : i32
    %c0_i32_0 = arith.constant 0 : i32
    %c0_i32_1 = arith.constant 0 : i32
    return %c0_i32, %arg0, %c0_i32_0 : i32, i32, i32
  }
  func.func @transform_3(%arg0: i32) -> (i32, i32) {
    %c0_i32 = arith.constant 0 : i32
    %c0_i32_0 = arith.constant 0 : i32
    %c0_i32_1 = arith.constant 0 : i32
    return %c0_i32, %c0_i32_0 : i32, i32
  }
  func.func @transform_4(%arg0: i32) -> (i32, i32) {
    %c0_i32 = arith.constant 0 : i32
    %c0_i32_0 = arith.constant 0 : i32
    return %arg0, %c0_i32 : i32, i32
  }
}

</mosaic_0001>

<sc_bundles>
// kernel: kernel.11.cloned.1.call-start
scs
__scs_entry_jumppad:
0x0: {  	(pc) =	sbr.rel $0x88, $3  }
0x1: {  	(tag) =	ssettag $0x0;
	lr =	simm.s32 $0x1  }
0x2: {  	[smem:$0x3F9B] =	sst lr;
	_ =	strace $0xD0000000  }
0x3: {  	_ = 	snop  }
0x4: {  	_ = 	snop  }
0x5: {  	_ = 	snop  }
0x6: {  	_ = 	snop  }
0x7: {  	_ = 	snop  }
__scs_overlays_trampoline_lowered:
0x8: {  	[smem:$0x3FAA] =	sst s0  }
0x9: {  	[smem:$0x3FAB] =	sst s1  }
0xa: {  	[smem:$0x3FAC] =	sst s2  }
0xb: {  	[smem:$0x3FAD] =	sst s3  }
0xc: {  	[smem:$0x3FAE] =	sst s4  }
0xd: {  	[smem:$0x3FAF] =	sst s5  }
0xe: {  	[smem:$0x3FB0] =	sst s6  }
0xf: {  	[smem:$0x3FB1] =	sst s7  }
0x10: {  	[smem:$0x3FB2] =	sst s8  }
0x11: {  	[smem:$0x3FB3] =	sst s9;
	s0 =	simm.s32 @!p0 $0x0  }
0x12: {  	s1 =	sld [smem:$0x3F99];
	s0 =	simm.s32 @p0 $0x1  }
0x13: {  	[smem:$0x3FB4] =	sst s0;
	s0 =	simm.s32 @!p1 $0x0  }
0x14: {  	s2 =	sld [smem:$0x3F98];
	s0 =	simm.s32 @p1 $0x1  }
0x15: {  	[smem:$0x3FB5] =	sst s0;
	s0 =	simm.s32 @!p2 $0x0  }
0x16: {  	s3 =	sld [smem:$0x3FDB];
	s0 =	simm.s32 @p2 $0x1  }
0x17: {  	s4 =	simm.s32 $0x1BF5;
	[smem:$0x3FB7] =	sst s0  }
0x18: {  	s0 =	sld [smem:$0x3F9A];
	_ =	swait.ge [sflag:s4], $0x0  }
0x19: {  	s7 =	sld [smem:$0x3F9B]  }
0x1a: {  	s8 =	sadd.s32 $0xFFFFE003, lr  }
0x1b: {  	s9 =	sadd.s32 $0xFFFFFEF7, lr;
	s5 =	simm.s32 $0xFFFFFFFF;
	p2 =	slt.u32 s8, $0xFFFFF086  }
0x1c: {  	p1 =	slt.u32 s9, $0xF7A;
	s5 =	simm.s32 @!p2 $0x0  }
0x1d: {  	s5 =	simm.s32 @p1 $0x1;
	p0 =	seq.s32 s7, s2  }
0x1e: {  	s7 =	smul.u32 @!p0 $0xF7A, s2;
	p2 =	seq.s32 @!p0 s5, $0x0  }
0x1f: {  	s9 =	smul.u32 $0xF7A, s1;
	s8 =	simm.s32 @!p0 $0x1BF5;
	p2 =	por !p2, p0  }
0x20: {  	[sflag:s8] =	ssyncset.s32 @!p0 $0xFFFFF086;
	s6 =	sadd.s32 @!p0 s3, s7;
	s7 =	simm.s32 @!p0 $0x108  }
0x21: {  	s3 =	sadd.s32 s3, s9;
	s6 =	sadd.s32 @!p0 $0x88, s6;
	s7 =	simm.s32 @p2 $0x1082  }
0x22: {  	[simem:s7], [sflag:s8] =	dma.local @!p0 [hbm:s6], $0xF7A  }
0x23: {  	s9 =	sor.u32 $0xD0000000, s2;
	s6 =	simm.s32 $0x108;
	_ =	swait.ge @!p0 [sflag:s8], $0x0  }
0x24: {  	s3 =	sadd.s32 $0x88, s3;
	s6 =	simm.s32 @!p1 $0x1082;
	[sflag:s4] =	ssyncset.s32 $0xFFFFF086  }
0x25: {  	[simem:s6], [sflag:s4] =	dma.local [hbm:s3], $0xF7A  }
0x26: {  	[smem:$0x3F9B] =	sst s1;
	(tag) =	ssettag s2;
	_ =	strace s9  }
0x27: {  	s1 =	sld [smem:$0x3FAB]  }
0x28: {  	s2 =	sld [smem:$0x3FAC]  }
0x29: {  	s4 =	sld [smem:$0x3FAE]  }
0x2a: {  	p0 =	seq.s32 s5, $0x0;
	s5 =	sld [smem:$0x3FAF]  }
0x2b: {  	s6 =	sld [smem:$0x3FB0]  }
0x2c: {  	s7 =	sld [smem:$0x3FB1]  }
0x2d: {  	s3 =	simm.s32 $0x108;
	s8 =	sld [smem:$0x3FB2]  }
0x2e: {  	s3 =	simm.s32 @!p0 $0x1082;
	s9 =	sld [smem:$0x3FB3]  }
0x2f: {  	lr =	sadd.s32 s0, s3;
	s0 =	sld [smem:$0x3FAA]  }
0x30: {  	s3 =	sld [smem:$0x3FAD]  }
0x31: {  	[smem:$0x3FB6] =	sst s10  }
0x32: {  	s10 =	sld [smem:$0x3FB4];
	_ =	sdelay $0x3  }
0x33: {  	p0 =	seq.s32 s10, $0x1;
	s10 =	sld [smem:$0x3FB6];
	_ =	sdelay $0x3  }
0x34: {  	[smem:$0x3FB6] =	sst s10  }
0x35: {  	s10 =	sld [smem:$0x3FB5];
	_ =	sdelay $0x3  }
0x36: {  	p1 =	seq.s32 s10, $0x1;
	s10 =	sld [smem:$0x3FB6];
	_ =	sdelay $0x3  }
0x37: {  	[smem:$0x3FB6] =	sst s10  }
0x38: {  	s10 =	sld [smem:$0x3FB7]  }
0x39: {  	_ = 	snop;
	(pc) =	sbr.ind lr, $3  }
0x3a: {  	_ = 	snop  }
0x3b: {  	_ = 	snop  }
0x3c: {  	p2 =	seq.s32 s10, $0x1;
	s10 =	sld [smem:$0x3FB6]  }
0x3d: {  	_ =	shalt  }
0x3e: {  	_ =	shalt  }
0x3f: {  	_ =	shalt  }
0x40: {  	_ =	shalt  }
0x41: {  	_ =	shalt  }
0x42: {  	_ =	shalt  }
0x43: {  	_ =	shalt  }
0x44: {  	_ =	shalt  }
0x45: {  	_ =	shalt  }
0x46: {  	_ =	shalt  }
0x47: {  	_ =	shalt  }
0x48: {  	_ =	shalt  }
0x49: {  	_ =	shalt  }
0x4a: {  	_ =	shalt  }
0x4b: {  	_ =	shalt  }
0x4c: {  	_ =	shalt  }
0x4d: {  	_ =	shalt  }
0x4e: {  	_ =	shalt  }
0x4f: {  	_ =	shalt  }
0x50: {  	_ =	shalt  }
0x51: {  	_ =	shalt  }
0x52: {  	_ =	shalt  }
0x53: {  	_ =	shalt  }
0x54: {  	_ =	shalt  }
0x55: {  	_ =	shalt  }
0x56: {  	_ =	shalt  }
0x57: {  	_ =	shalt  }
0x58: {  	_ =	shalt  }
0x59: {  	_ =	shalt  }
0x5a: {  	_ =	shalt  }
0x5b: {  	_ =	shalt  }
0x5c: {  	_ =	shalt  }
0x5d: {  	_ =	shalt  }
0x5e: {  	_ =	shalt  }
0x5f: {  	_ =	shalt  }
0x60: {  	_ =	shalt  }
0x61: {  	_ =	shalt  }
0x62: {  	_ =	shalt  }
0x63: {  	_ =	shalt  }
0x64: {  	_ =	shalt  }
0x65: {  	_ =	shalt  }
0x66: {  	_ =	shalt  }
0x67: {  	_ =	shalt  }
0x68: {  	_ =	shalt  }
0x69: {  	_ =	shalt  }
0x6a: {  	_ =	shalt  }
0x6b: {  	_ =	shalt  }
0x6c: {  	_ =	shalt  }
0x6d: {  	_ =	shalt  }
0x6e: {  	_ =	shalt  }
0x6f: {  	_ =	shalt  }
0x70: {  	_ =	shalt  }
0x71: {  	_ =	shalt  }
0x72: {  	_ =	shalt  }
0x73: {  	_ =	shalt  }
0x74: {  	_ =	shalt  }
0x75: {  	_ =	shalt  }
0x76: {  	_ =	shalt  }
0x77: {  	_ =	shalt  }
0x78: {  	_ =	shalt  }
0x79: {  	_ =	shalt  }
0x7a: {  	_ =	shalt  }
0x7b: {  	_ =	shalt  }
0x7c: {  	_ =	shalt  }
0x7d: {  	_ =	shalt  }
0x7e: {  	_ =	shalt  }
0x7f: {  	_ =	shalt  }
0x80: {  	_ =	shalt  }
0x81: {  	_ =	shalt  }
0x82: {  	_ =	shalt  }
0x83: {  	_ =	shalt  }
0x84: {  	_ =	shalt  }
0x85: {  	_ =	shalt  }
0x86: {  	_ =	shalt  }
0x87: {  	_ =	shalt  }
.Lfunc_end0:
.L_simem_size_0:
called_computation.1_lowered:
.L_overlay_start_0:
0x88: {  	s2 =	sld [smem:$0x3FD9]  }
0x89: {  	s3 =	sld [smem:$0x3FFE];
	_ =	sdelay $0x1  }
0x8a: {  	s1 =	srdreg.scid  }
0x8b: {  	s0 =	sand.u32 $0x1, s1  }
0x8c: {  	s17 =	sshll.u32 s0, $0xA;
	s2 =	sadd.s32 s3, s2  }
0x8d: {  	s2 =	sadd.s32 s2, s17  }
0x8e: {  	[smem:$0x3FC2] =	sst s2  }
0x8f: {  	_ = 	snop  }
0x90: {  	s2 =	sld [smem:$0x3FD0];
	(tm) =	ssettm $0x1  }
0x91: {  	s18 =	sld [smem:$0x3FFB];
	_ =	sdelay $0x3  }
0x92: {  	_ =	strace s18  }
0x93: {  	s3 =	sld [smem:$0x3FFC];
	_ =	sdelay $0x3  }
0x94: {  	_ =	strace s3  }
0x95: {  	s3 =	sld [smem:$0x3FFD];
	_ =	sdelay $0x3  }
0x96: {  	_ =	strace s3  }
0x97: {  	_ =	strace $0x8FFFFFFF  }
0x98: {  	s19 =	sld [smem:$0x3FDB];
	_ =	sdelay $0x1  }
0x99: {  	s4 =	simm.s32 $_scs_section_size  }
0x9a: {  	s5 =	simm.s32 $_size__tile_overlayer_lowered;
	s6 =	simm.s32 $_tile_overlayer_lowered  }
0x9b: {  	s22 =	simm.s32 $0x1BFF;
	s21 =	sshll.u32 s6, $0x1;
	s3 =	sadd.s32 s4, s19  }
0x9c: {  	s7 =	simm.s32 $0x0;
	s20 =	sshll.u32 s5, $0x1;
	s5 =	sadd.s32 s21, s3  }
0x9d: {  	[timem:s7], [sflag:s22] =	dma.local [hbm:s5], s20  }
0x9e: {  	_ =	swait.ge [sflag:s22], s20  }
0x9f: {  	s4 =	ssub.s32 $0x0, s20;
	[sflag:s22] =	ssyncset.done $0x0  }
0xa0: {  	[sflag:s22] =	ssyncadd.s32 s4;
	_ =	sdelay $0x1  }
0xa1: {  	s23 =	simm.s32 $0x1B8B  }
0xa2: {  	_ =	swait.ge [sflag:s23], $0x1  }
0xa3: {  	[sflag:s23] =	ssyncset.done $0x0  }
0xa4: {  	s25 =	simm.s32 $0x1B8E;
	s24 =	sld [smem:$0x3FFE];
	[sflag:s23] =	ssyncadd.s32 $0xFFFFFFFF  }
0xa5: {  	s26 =	simm.s32 $execute0_lowered;
	[smem:$0x3FD2] =	sst s25  }
0xa6: {  	s5 =	sshll.u32 s26, $0x1;
	_ =	strace $0x80000049;
	[dreg:$0x1] =	wrdreg $0xFFFFFFFF  }
0xa7: {  	s28 =	simm.s32 $_size_execute0_lowered;
	s3 =	sadd.s32 s3, s5;
	[dreg:$0x0] =	wrdreg $0x0  }
0xa8: {  	s5 =	sshll.u32 s28, $0x1;
	[dreg:$0x2] =	wrdreg s3  }
0xa9: {  	[dreg:$0x3] =	wrdreg s5  }
0xaa: {  	[dreg:$0x4] =	wrdreg $0xC0  }
0xab: {  	_ =	task [dreg:s7], $0x5FFFF  }
0xac: {  	[dreg:$0x1] =	wrdreg $0xFFFFFFFF  }
0xad: {  	[dreg:$0x0] =	wrdreg $0x60  }
0xae: {  	[dreg:$0x2] =	wrdreg s24  }
0xaf: {  	[dreg:$0x3] =	wrdreg s2  }
0xb0: {  	[dreg:$0x4] =	wrdreg $0x142600  }
0xb1: {  	[dreg:$0x5] =	wrdreg $0x9  }
0xb2: {  	_ =	task.clear_ibuf [dreg:s7], $0x6FFFF;
	_ =	strace $0x90000049  }
0xb3: {  	s29 =	simm.s32 $0x9;
	_ =	strace $0x8000004B  }
0xb4: {  	_ =	swait.ge [sflag:s29], $0x1  }
0xb5: {  	[sflag:s29] =	ssyncadd.s32 $0xFFFFFFFF  }
0xb6: {  	_ =	strace $0x9000004B  }
0xb7: {  	_ =	sfence  }
0xb8: {  	s30 =	sld [smem:$0x0];
	_ =	sdelay $0x2  }
0xb9: {  	s31 =	sshll.u32 s1, $0xD;
	s1 =	sshrl.u32 s1, $0x2  }
0xba: {  	s3 =	sand.u32 $0x4000, s31;
	s1 =	sadd.s32 s1, s30  }
0xbb: {  	s0 =	sor.u32 s3, s0;
	s1 =	sshll.u32 s1, $0x11  }
0xbc: {  	s0 =	sor.u32 s1, s0  }
0xbd: {  	s0 =	sadd.s32 $0x8F2B, s0  }
0xbe: {  	[sflag:s0] =	ssyncadd.remote.s32 $0x1  }
0xbf: {  	_ =	sfence.sel $0xFFFF  }
0xc0: {  	[dreg:$0x0] =	wrdreg $0xFFFFFFFF;
	(pc) =	sbr.abs _section_cstart, $3  }
0xc1: {  	[dreg:$0x1] =	wrdreg $0xFFFFFFFF  }
0xc2: {  	_ =	task.clear_ibuf [dreg:s7], $0x2FFFF;
	_ =	strace $0x9FFFFFFF  }
0xc3: {  	(tm) =	ssettm $0x7FFFFFFF  }
tec
execute0_lowered:
.L_overlay_start_1:
0x0: {  	(tag) =	ssettag $0x1  }
0x1: {  	s5 =	rddreg [dreg:$0x0]  }
0x2: {  	s6 =	rddreg [dreg:$0x1]  }
0x3: {  	s1 =	rddreg [dreg:$0x2];
	s2 =	srdreg.scid  }
0x4: {  	s0 =	rddreg [dreg:$0x3];
	s3 =	simm.s32 $0x0;
	s14 =	simm.s32 $0x278  }
0x5: {  	s15 =	simm.s32 $0x9E0;
	s16 =	simm.s32 $0x4F0;
	s17 =	simm.s32 $0x1  }
0x6: {  	s18 =	simm.s32 $0x4;
	s19 =	simm.s32 $0x768;
	s20 =	simm.s32 $0xA620  }
0x7: {  	s21 =	simm.s32 $0x2;
	s4 =	sand.u32 $0x1, s2;
	s2 =	stileid.u32  }
0x8: {  	s22 =	simm.s32 $0x3;
	[smem:$0x7FF] =	sst s3;
	s7 =	smul.u32 $0x9C400, s4  }
0x9: {  	s23 =	simm.s32 $0x0;
	s8 =	smul.u32 $0x9C40, s2;
	_ =	strace $0x8000004A  }
0xa: {  	s10 =	ssub.s32 $0x2, s4;
	s12 =	smul.u32 $0x9E00, s2;
	s4 =	sadd.s32 $0x9EC00, s5  }
0xb: {  	s26 =	sshll.u32 s2, $0x6;
	s28 =	smul.u32 $0x13C0, s2;
	s11 =	sshrl.u32 s10, $0x1  }
0xc: {  	s9 =	sshrl.u32 s7, $0x3;
	s7 =	sadd.s32 s8, s7;
	s10 =	ssub.s32 s10, s11  }
0xd: {  	s29 =	sshrl.u32 s12, $0x3;
	s30 =	sadd.s32 s8, s1;
	s12 =	simm.s32 $0x5  }
0xe: {  	s9 =	sadd.s32 s9, s5;
	s7 =	sshrl.u32 s7, $0x3;
	s31 =	sadd.s32 s6, s29  }
0xf: {  	s6 =	sadd.s32 s6, s28;
	s10 =	smax.u32 s10, $0x1;
	s11 =	sshrl.u32 s30, $0x3  }
0x10: {  	s13 =	sadd.s32 s7, s5;
	s5 =	sor.u32 $0x1C05, s26;
	s7 =	sadd.s32 $0x77A00, s9  }
0x11: {  	s8 =	sadd.s32 $0x9E, s31;
	s9 =	sadd.s32 $0xA0000, s13;
	s13 =	simm.s32 $0x271  }
.LBB2_1:
0x12: {  	[spmem:s11], [sflag:s5] =	dma.local [hbm:s4], $0x1388  }
0x13: {  	_ =	swait.ge [sflag:s12], $0x1388  }
0x14: {  	[sflag:s12] =	ssyncset.done $0x0  }
0x15: {  	[sflag:s12] =	ssyncadd.s32 $0xFFFFEC78  }
0x16: {  	[bflag:$0x0] =	sbarrier.arrive $0xFFFF  }
0x17: {  	[tilespmem:s3], [sflag:$0x5] =	stream.linear.gather [hbm4b:s6+s3], $0x4F0, $0x38;
	[tilespmem:$0x1DEA0] =	vst v63  }
0x18: {  	_ =	swait.ge [sflag:s12], $0x4F0  }
0x19: {  	[sflag:s12] =	ssyncset.done $0x0  }
0x1a: {  	[sflag:s12] =	ssyncadd.s32 $0xFFFFFB10  }
0x1b: {  	[tilespmem:s15], [sflag:$0x1] =	stream.indirect.gather [hbm4b:s7+s13], $0x40, s14, s13, $0xb8;
	[tilespmem:$0x1DEA0] =	vst v63  }
0x1c: {  	_ = 	snop  }
0x1d: {  	[tilespmem:s16], [sflag:$0x4] =	stream.linear.gather [hbm4b:s8+s3], $0x4F0, $0x38;
	[tilespmem:$0x1DEA0] =	vst v63  }
0x1e: {  	_ =	swait.ge [sflag:s17], $0x9C40  }
0x1f: {  	[sflag:s17] =	ssyncset.done $0x0  }
0x20: {  	[sflag:s17] =	ssyncadd.s32 $0xFFFF63C0  }
0x21: {  	_ =	swait.ge [sflag:s18], $0x4F0  }
0x22: {  	[sflag:s18] =	ssyncset.done $0x0  }
0x23: {  	[sflag:s18] =	ssyncadd.s32 $0xFFFFFB10  }
0x24: {  	[tilespmem:s20], [sflag:$0x2] =	stream.indirect.gather [hbm4b:s7+s13], $0x40, s19, s13, $0xb8;
	[tilespmem:$0x1DEA0] =	vst v63  }
0x25: {  	_ = 	snop  }
0x26: {  	[spmem:s1] =	stream.indirect.scatter.add.f32 [tilespmem:s15], [sflag:$0x5], $0x40, s3, s13, $0xb8;
	[tilespmem:$0x1DEA0] =	vst v63  }
0x27: {  	_ =	swait.ge [sflag:s12], $0x9C40  }
0x28: {  	s25 =	sadd.s32 $0xFFFFED7C, s6;
	[sflag:s12] =	ssyncset.done $0x0  }
0x29: {  	s24 =	sadd.s32 $0x13C0, s25;
	[sflag:s12] =	ssyncadd.s32 $0xFFFF63C0  }
0x2a: {  	[tilespmem:s3], [sflag:$0x3] =	stream.linear.gather [hbm4b:s24+s3], $0x4F0, $0x38;
	[tilespmem:$0x1DEA0] =	vst v63  }
0x2b: {  	_ =	swait.ge [sflag:s21], $0x9C40  }
0x2c: {  	[sflag:s21] =	ssyncset.done $0x0  }
0x2d: {  	[sflag:s21] =	ssyncadd.s32 $0xFFFF63C0  }
0x2e: {  	_ =	swait.ge [sflag:s22], $0x4F0  }
0x2f: {  	[sflag:s22] =	ssyncset.done $0x0  }
0x30: {  	[sflag:s22] =	ssyncadd.s32 $0xFFFFFB10  }
0x31: {  	[tilespmem:s15], [sflag:$0x1] =	stream.indirect.gather [hbm4b:s7+s13], $0x40, s14, s13, $0xb8;
	[tilespmem:$0x1DEA0] =	vst v63  }
0x32: {  	_ = 	snop  }
0x33: {  	[spmem:s1] =	stream.indirect.scatter.add.f32 [tilespmem:s20], [sflag:$0x5], $0x40, s16, s13, $0xb8;
	[tilespmem:$0x1DEA0] =	vst v63  }
0x34: {  	_ =	swait.ge [sflag:s12], $0x9C40  }
0x35: {  	[sflag:s12] =	ssyncset.done $0x0  }
0x36: {  	s25 =	sadd.s32 $0x145E, s25;
	s24 =	simm.s32 $0xFFFFEEB8;
	[sflag:s12] =	ssyncadd.s32 $0xFFFF63C0  }
.LBB2_2:
0x37: {  	[tilespmem:s16], [sflag:$0x4] =	stream.linear.gather [hbm4b:s25+s3], $0x4F0, $0x38;
	[tilespmem:$0x1DEA0] =	vst v63  }
0x38: {  	s25 =	smov.u32 s24  }
0x39: {  	p0 =	sne.s32 s24, $0xFFFFFEC4;
	s24 =	sadd.s32 $0x13C, s24;
	_ =	swait.ge [sflag:s17], $0x9C40  }
0x3a: {  	[sflag:s17] =	ssyncset.done $0x0  }
0x3b: {  	[sflag:s17] =	ssyncadd.s32 $0xFFFF63C0  }
0x3c: {  	_ =	swait.ge [sflag:s18], $0x4F0  }
0x3d: {  	[sflag:s18] =	ssyncset.done $0x0  }
0x3e: {  	[sflag:s18] =	ssyncadd.s32 $0xFFFFFB10  }
0x3f: {  	[tilespmem:s20], [sflag:$0x2] =	stream.indirect.gather [hbm4b:s7+s13], $0x40, s19, s13, $0xb8;
	[tilespmem:$0x1DEA0] =	vst v63  }
0x40: {  	_ = 	snop  }
0x41: {  	[spmem:s1] =	stream.indirect.scatter.add.f32 [tilespmem:s15], [sflag:$0x5], $0x40, s3, s13, $0xb8;
	[tilespmem:$0x1DEA0] =	vst v63  }
0x42: {  	_ =	swait.ge [sflag:s12], $0x9C40  }
0x43: {  	s25 =	sadd.s32 s25, s6;
	[sflag:s12] =	ssyncset.done $0x0  }
0x44: {  	s26 =	sadd.s32 $0x13C0, s25;
	[sflag:s12] =	ssyncadd.s32 $0xFFFF63C0  }
0x45: {  	[tilespmem:s3], [sflag:$0x3] =	stream.linear.gather [hbm4b:s26+s3], $0x4F0, $0x38;
	[tilespmem:$0x1DEA0] =	vst v63  }
0x46: {  	_ =	swait.ge [sflag:s21], $0x9C40  }
0x47: {  	[sflag:s21] =	ssyncset.done $0x0  }
0x48: {  	[sflag:s21] =	ssyncadd.s32 $0xFFFF63C0  }
0x49: {  	_ =	swait.ge [sflag:s22], $0x4F0  }
0x4a: {  	[sflag:s22] =	ssyncset.done $0x0  }
0x4b: {  	[sflag:s22] =	ssyncadd.s32 $0xFFFFFB10  }
0x4c: {  	[tilespmem:s15], [sflag:$0x1] =	stream.indirect.gather [hbm4b:s7+s13], $0x40, s14, s13, $0xb8;
	[tilespmem:$0x1DEA0] =	vst v63  }
.Ltmp0:
0x4d: {  	(pc) =	sbr.rel @p0 .LBB2_2-.Ltmp0, $4  }
0x4e: {  	[spmem:s1] =	stream.indirect.scatter.add.f32 [tilespmem:s20], [sflag:$0x5], $0x40, s16, s13, $0xb8;
	[tilespmem:$0x1DEA0] =	vst v63  }
0x4f: {  	_ =	swait.ge [sflag:s12], $0x9C40  }
0x50: {  	[sflag:s12] =	ssyncset.done $0x0  }
0x51: {  	s25 =	sadd.s32 $0x145E, s25;
	[sflag:s12] =	ssyncadd.s32 $0xFFFF63C0  }
0x52: {  	[tilespmem:s16], [sflag:$0x4] =	stream.linear.gather [hbm4b:s25+s3], $0x4F0, $0x38;
	[tilespmem:$0x1DEA0] =	vst v63  }
0x53: {  	_ =	swait.ge [sflag:s17], $0x9C40  }
0x54: {  	[sflag:s17] =	ssyncset.done $0x0  }
0x55: {  	[sflag:s17] =	ssyncadd.s32 $0xFFFF63C0  }
0x56: {  	_ =	swait.ge [sflag:s18], $0x4F0  }
0x57: {  	[sflag:s18] =	ssyncset.done $0x0  }
0x58: {  	[sflag:s18] =	ssyncadd.s32 $0xFFFFFB10  }
0x59: {  	[tilespmem:s20], [sflag:$0x2] =	stream.indirect.gather [hbm4b:s7+s13], $0x40, s19, s13, $0xb8;
	[tilespmem:$0x1DEA0] =	vst v63  }
0x5a: {  	_ = 	snop  }
0x5b: {  	[spmem:s1] =	stream.indirect.scatter.add.f32 [tilespmem:s15], [sflag:$0x5], $0x40, s3, s13, $0xb8;
	[tilespmem:$0x1DEA0] =	vst v63  }
0x5c: {  	_ =	swait.ge [sflag:s12], $0x9C40  }
0x5d: {  	[sflag:s12] =	ssyncset.done $0x0  }
0x5e: {  	[sflag:s12] =	ssyncadd.s32 $0xFFFF63C0  }
0x5f: {  	_ =	swait.ge [sflag:s21], $0x9C40  }
0x60: {  	[sflag:s21] =	ssyncset.done $0x0  }
0x61: {  	[sflag:s21] =	ssyncadd.s32 $0xFFFF63C0  }
0x62: {  	[spmem:s1] =	stream.indirect.scatter.add.f32 [tilespmem:s20], [sflag:$0x5], $0x40, s16, s13, $0xb8;
	[tilespmem:$0x1DEA0] =	vst v63  }
0x63: {  	_ =	swait.ge [sflag:s12], $0x9C40  }
0x64: {  	s23 =	sadd.s32 $0x1, s23;
	[sflag:s12] =	ssyncset.done $0x0  }
0x65: {  	p0 =	sne.s32 s23, s10;
	[sflag:s12] =	ssyncadd.s32 $0xFFFF63C0  }
.Ltmp1:
0x66: {  	[bflag:$0x0] =	sbarrier.arrive $0xFFFF;
	(pc) =	sbr.rel @p0 .LBB2_1-.Ltmp1, $4  }
0x67: {  	[hbm:s9], [sflag:s5] =	dma.local [spmem:s11], $0x1388  }
0x68: {  	_ =	swait.ge [sflag:s12], $0x1388  }
0x69: {  	[sflag:s12] =	ssyncset.done $0x0  }
0x6a: {  	[sflag:s12] =	ssyncadd.s32 $0xFFFFEC78  }
0x6b: {  	_ =	sfence.sel $0x180000  }
0x6c: {  	[bflag:$0x0] =	sbarrier.arrive $0xFFFF  }
0x6d: {  	p0 =	sne.s32 s2, $0x0;
	_ =	strace $0x9000004A  }
0x6e: {  	s0 =	sadd.s32 @!p0 $0x100000, s0;
	[bflag:$0x2] =	sbarrier.arrive $0xFFFF  }
0x6f: {  	[sflag:s0] =	ssyncadd.tile.s32 @!p0 $0x1;
	_ =	shalt  }
.Lfunc_end2:
_tile_overlayer_lowered:
.L_overlay_start_2:
0x70: {  	(tag) =	ssettag $0x2  }
0x71: {  	s0 =	rddreg [dreg:$0x0];
	s2 =	stileid.u32  }
0x72: {  	s1 =	rddreg [dreg:$0x1];
	p0 =	sne.s32 s2, $0x0  }
0x73: {  	s3 =	rddreg [dreg:$0x2];
	[bflag:$0x3] =	sbarrier.arrive $0xFFFF;
	s2 =	simm.s32 @!p0 $0x1C05  }
0x74: {  	[timem:s3], [sflag:s2] =	dma.local @!p0 [hbm:s0], s1  }
0x75: {  	s0 =	simm.s32 @!p0 $0x5  }
0x76: {  	_ =	swait.ge @!p0 [sflag:s0], s1  }
0x77: {  	s1 =	ssub.s32 @!p0 $0x0, s1;
	[sflag:s0] =	ssyncset.done @!p0 $0x0  }
0x78: {  	[sflag:s0] =	ssyncadd.s32 @!p0 s1  }
0x79: {  	[bflag:$0x3] =	sbarrier.arrive $0xFFFF  }
0x7a: {  	_ =	shalt  }

// kernel: kernel.14.cloned.1.call-start
scs
__scs_entry_jumppad:
0x0: {  	(pc) =	sbr.rel $0x88, $3  }
0x1: {  	(tag) =	ssettag $0x0;
	lr =	simm.s32 $0x1  }
0x2: {  	[smem:$0x3F9B] =	sst lr;
	_ =	strace $0xD0000000  }
0x3: {  	_ = 	snop  }
0x4: {  	_ = 	snop  }
0x5: {  	_ = 	snop  }
0x6: {  	_ = 	snop  }
0x7: {  	_ = 	snop  }
__scs_overlays_trampoline_lowered:
0x8: {  	[smem:$0x3FAA] =	sst s0  }
0x9: {  	[smem:$0x3FAB] =	sst s1  }
0xa: {  	[smem:$0x3FAC] =	sst s2  }
0xb: {  	[smem:$0x3FAD] =	sst s3  }
0xc: {  	[smem:$0x3FAE] =	sst s4  }
0xd: {  	[smem:$0x3FAF] =	sst s5  }
0xe: {  	[smem:$0x3FB0] =	sst s6  }
0xf: {  	[smem:$0x3FB1] =	sst s7  }
0x10: {  	[smem:$0x3FB2] =	sst s8  }
0x11: {  	[smem:$0x3FB3] =	sst s9;
	s0 =	simm.s32 @!p0 $0x0  }
0x12: {  	s1 =	sld [smem:$0x3F99];
	s0 =	simm.s32 @p0 $0x1  }
0x13: {  	[smem:$0x3FB4] =	sst s0;
	s0 =	simm.s32 @!p1 $0x0  }
0x14: {  	s2 =	sld [smem:$0x3F98];
	s0 =	simm.s32 @p1 $0x1  }
0x15: {  	[smem:$0x3FB5] =	sst s0;
	s0 =	simm.s32 @!p2 $0x0  }
0x16: {  	s3 =	sld [smem:$0x3FDB];
	s0 =	simm.s32 @p2 $0x1  }
0x17: {  	s4 =	simm.s32 $0x1BF5;
	[smem:$0x3FB7] =	sst s0  }
0x18: {  	s0 =	sld [smem:$0x3F9A];
	_ =	swait.ge [sflag:s4], $0x0  }
0x19: {  	s7 =	sld [smem:$0x3F9B]  }
0x1a: {  	s8 =	sadd.s32 $0xFFFFE003, lr  }
0x1b: {  	s9 =	sadd.s32 $0xFFFFFEF7, lr;
	s5 =	simm.s32 $0xFFFFFFFF;
	p2 =	slt.u32 s8, $0xFFFFF086  }
0x1c: {  	p1 =	slt.u32 s9, $0xF7A;
	s5 =	simm.s32 @!p2 $0x0  }
0x1d: {  	s5 =	simm.s32 @p1 $0x1;
	p0 =	seq.s32 s7, s2  }
0x1e: {  	s7 =	smul.u32 @!p0 $0xF7A, s2;
	p2 =	seq.s32 @!p0 s5, $0x0  }
0x1f: {  	s9 =	smul.u32 $0xF7A, s1;
	s8 =	simm.s32 @!p0 $0x1BF5;
	p2 =	por !p2, p0  }
0x20: {  	[sflag:s8] =	ssyncset.s32 @!p0 $0xFFFFF086;
	s6 =	sadd.s32 @!p0 s3, s7;
	s7 =	simm.s32 @!p0 $0x108  }
0x21: {  	s3 =	sadd.s32 s3, s9;
	s6 =	sadd.s32 @!p0 $0x88, s6;
	s7 =	simm.s32 @p2 $0x1082  }
0x22: {  	[simem:s7], [sflag:s8] =	dma.local @!p0 [hbm:s6], $0xF7A  }
0x23: {  	s9 =	sor.u32 $0xD0000000, s2;
	s6 =	simm.s32 $0x108;
	_ =	swait.ge @!p0 [sflag:s8], $0x0  }
0x24: {  	s3 =	sadd.s32 $0x88, s3;
	s6 =	simm.s32 @!p1 $0x1082;
	[sflag:s4] =	ssyncset.s32 $0xFFFFF086  }
0x25: {  	[simem:s6], [sflag:s4] =	dma.local [hbm:s3], $0xF7A  }
0x26: {  	[smem:$0x3F9B] =	sst s1;
	(tag) =	ssettag s2;
	_ =	strace s9  }
0x27: {  	s1 =	sld [smem:$0x3FAB]  }
0x28: {  	s2 =	sld [smem:$0x3FAC]  }
0x29: {  	s4 =	sld [smem:$0x3FAE]  }
0x2a: {  	p0 =	seq.s32 s5, $0x0;
	s5 =	sld [smem:$0x3FAF]  }
0x2b: {  	s6 =	sld [smem:$0x3FB0]  }
0x2c: {  	s7 =	sld [smem:$0x3FB1]  }
0x2d: {  	s3 =	simm.s32 $0x108;
	s8 =	sld [smem:$0x3FB2]  }
0x2e: {  	s3 =	simm.s32 @!p0 $0x1082;
	s9 =	sld [smem:$0x3FB3]  }
0x2f: {  	lr =	sadd.s32 s0, s3;
	s0 =	sld [smem:$0x3FAA]  }
0x30: {  	s3 =	sld [smem:$0x3FAD]  }
0x31: {  	[smem:$0x3FB6] =	sst s10  }
0x32: {  	s10 =	sld [smem:$0x3FB4];
	_ =	sdelay $0x3  }
0x33: {  	p0 =	seq.s32 s10, $0x1;
	s10 =	sld [smem:$0x3FB6];
	_ =	sdelay $0x3  }
0x34: {  	[smem:$0x3FB6] =	sst s10  }
0x35: {  	s10 =	sld [smem:$0x3FB5];
	_ =	sdelay $0x3  }
0x36: {  	p1 =	seq.s32 s10, $0x1;
	s10 =	sld [smem:$0x3FB6];
	_ =	sdelay $0x3  }
0x37: {  	[smem:$0x3FB6] =	sst s10  }
0x38: {  	s10 =	sld [smem:$0x3FB7]  }
0x39: {  	_ = 	snop;
	(pc) =	sbr.ind lr, $3  }
0x3a: {  	_ = 	snop  }
0x3b: {  	_ = 	snop  }
0x3c: {  	p2 =	seq.s32 s10, $0x1;
	s10 =	sld [smem:$0x3FB6]  }
0x3d: {  	_ =	shalt  }
0x3e: {  	_ =	shalt  }
0x3f: {  	_ =	shalt  }
0x40: {  	_ =	shalt  }
0x41: {  	_ =	shalt  }
0x42: {  	_ =	shalt  }
0x43: {  	_ =	shalt  }
0x44: {  	_ =	shalt  }
0x45: {  	_ =	shalt  }
0x46: {  	_ =	shalt  }
0x47: {  	_ =	shalt  }
0x48: {  	_ =	shalt  }
0x49: {  	_ =	shalt  }
0x4a: {  	_ =	shalt  }
0x4b: {  	_ =	shalt  }
0x4c: {  	_ =	shalt  }
0x4d: {  	_ =	shalt  }
0x4e: {  	_ =	shalt  }
0x4f: {  	_ =	shalt  }
0x50: {  	_ =	shalt  }
0x51: {  	_ =	shalt  }
0x52: {  	_ =	shalt  }
0x53: {  	_ =	shalt  }
0x54: {  	_ =	shalt  }
0x55: {  	_ =	shalt  }
0x56: {  	_ =	shalt  }
0x57: {  	_ =	shalt  }
0x58: {  	_ =	shalt  }
0x59: {  	_ =	shalt  }
0x5a: {  	_ =	shalt  }
0x5b: {  	_ =	shalt  }
0x5c: {  	_ =	shalt  }
0x5d: {  	_ =	shalt  }
0x5e: {  	_ =	shalt  }
0x5f: {  	_ =	shalt  }
0x60: {  	_ =	shalt  }
0x61: {  	_ =	shalt  }
0x62: {  	_ =	shalt  }
0x63: {  	_ =	shalt  }
0x64: {  	_ =	shalt  }
0x65: {  	_ =	shalt  }
0x66: {  	_ =	shalt  }
0x67: {  	_ =	shalt  }
0x68: {  	_ =	shalt  }
0x69: {  	_ =	shalt  }
0x6a: {  	_ =	shalt  }
0x6b: {  	_ =	shalt  }
0x6c: {  	_ =	shalt  }
0x6d: {  	_ =	shalt  }
0x6e: {  	_ =	shalt  }
0x6f: {  	_ =	shalt  }
0x70: {  	_ =	shalt  }
0x71: {  	_ =	shalt  }
0x72: {  	_ =	shalt  }
0x73: {  	_ =	shalt  }
0x74: {  	_ =	shalt  }
0x75: {  	_ =	shalt  }
0x76: {  	_ =	shalt  }
0x77: {  	_ =	shalt  }
0x78: {  	_ =	shalt  }
0x79: {  	_ =	shalt  }
0x7a: {  	_ =	shalt  }
0x7b: {  	_ =	shalt  }
0x7c: {  	_ =	shalt  }
0x7d: {  	_ =	shalt  }
0x7e: {  	_ =	shalt  }
0x7f: {  	_ =	shalt  }
0x80: {  	_ =	shalt  }
0x81: {  	_ =	shalt  }
0x82: {  	_ =	shalt  }
0x83: {  	_ =	shalt  }
0x84: {  	_ =	shalt  }
0x85: {  	_ =	shalt  }
0x86: {  	_ =	shalt  }
0x87: {  	_ =	shalt  }
.Lfunc_end0:
.L_simem_size_0:
called_computation.2_lowered:
.L_overlay_start_0:
0x88: {  	s2 =	sld [smem:$0x3FD9]  }
0x89: {  	s3 =	sld [smem:$0x3FFE];
	_ =	sdelay $0x1  }
0x8a: {  	s1 =	srdreg.scid  }
0x8b: {  	s0 =	sand.u32 $0x1, s1  }
0x8c: {  	s17 =	sshll.u32 s0, $0xA;
	s2 =	sadd.s32 s3, s2  }
0x8d: {  	s2 =	sadd.s32 s2, s17  }
0x8e: {  	[smem:$0x3FC2] =	sst s2  }
0x8f: {  	_ = 	snop  }
0x90: {  	s2 =	sld [smem:$0x3FD0];
	(tm) =	ssettm $0x1  }
0x91: {  	s18 =	sld [smem:$0x3FFB];
	_ =	sdelay $0x3  }
0x92: {  	_ =	strace s18  }
0x93: {  	s3 =	sld [smem:$0x3FFC];
	_ =	sdelay $0x3  }
0x94: {  	_ =	strace s3  }
0x95: {  	s3 =	sld [smem:$0x3FFD];
	_ =	sdelay $0x3  }
0x96: {  	_ =	strace s3  }
0x97: {  	_ =	strace $0x8FFFFFFF  }
0x98: {  	s19 =	sld [smem:$0x3FDB];
	_ =	sdelay $0x1  }
0x99: {  	s4 =	simm.s32 $_scs_section_size  }
0x9a: {  	s5 =	simm.s32 $_size__tile_overlayer_lowered;
	s6 =	simm.s32 $_tile_overlayer_lowered  }
0x9b: {  	s22 =	simm.s32 $0x1BFF;
	s21 =	sshll.u32 s6, $0x1;
	s3 =	sadd.s32 s4, s19  }
0x9c: {  	s7 =	simm.s32 $0x0;
	s20 =	sshll.u32 s5, $0x1;
	s5 =	sadd.s32 s21, s3  }
0x9d: {  	[timem:s7], [sflag:s22] =	dma.local [hbm:s5], s20  }
0x9e: {  	_ =	swait.ge [sflag:s22], s20  }
0x9f: {  	s4 =	ssub.s32 $0x0, s20;
	[sflag:s22] =	ssyncset.done $0x0  }
0xa0: {  	[sflag:s22] =	ssyncadd.s32 s4;
	_ =	sdelay $0x1  }
0xa1: {  	s23 =	simm.s32 $0x1B8B  }
0xa2: {  	_ =	swait.ge [sflag:s23], $0x1  }
0xa3: {  	[sflag:s23] =	ssyncset.done $0x0  }
0xa4: {  	s25 =	simm.s32 $0x1B8E;
	s24 =	sld [smem:$0x3FFE];
	[sflag:s23] =	ssyncadd.s32 $0xFFFFFFFF  }
0xa5: {  	s26 =	simm.s32 $execute0_lowered;
	[smem:$0x3FD2] =	sst s25  }
0xa6: {  	s5 =	sshll.u32 s26, $0x1;
	_ =	strace $0x8000004C;
	[dreg:$0x1] =	wrdreg $0xFFFFFFFF  }
0xa7: {  	s28 =	simm.s32 $_size_execute0_lowered;
	s3 =	sadd.s32 s3, s5;
	[dreg:$0x0] =	wrdreg $0x0  }
0xa8: {  	s5 =	sshll.u32 s28, $0x1;
	[dreg:$0x2] =	wrdreg s3  }
0xa9: {  	[dreg:$0x3] =	wrdreg s5  }
0xaa: {  	[dreg:$0x4] =	wrdreg $0xC0  }
0xab: {  	_ =	task [dreg:s7], $0x5FFFF  }
0xac: {  	[dreg:$0x1] =	wrdreg $0xFFFFFFFF  }
0xad: {  	[dreg:$0x0] =	wrdreg $0x60  }
0xae: {  	[dreg:$0x2] =	wrdreg s2  }
0xaf: {  	[dreg:$0x3] =	wrdreg s24  }
0xb0: {  	[dreg:$0x4] =	wrdreg $0x109A00  }
0xb1: {  	[dreg:$0x5] =	wrdreg $0x9  }
0xb2: {  	_ =	task.clear_ibuf [dreg:s7], $0x6FFFF;
	_ =	strace $0x9000004C  }
0xb3: {  	s29 =	simm.s32 $0x9;
	_ =	strace $0x8000004E  }
0xb4: {  	_ =	swait.ge [sflag:s29], $0x1  }
0xb5: {  	[sflag:s29] =	ssyncadd.s32 $0xFFFFFFFF  }
0xb6: {  	_ =	strace $0x9000004E  }
0xb7: {  	_ =	sfence  }
0xb8: {  	s30 =	sld [smem:$0x0];
	_ =	sdelay $0x2  }
0xb9: {  	s31 =	sshll.u32 s1, $0xD;
	s1 =	sshrl.u32 s1, $0x2  }
0xba: {  	s3 =	sand.u32 $0x4000, s31;
	s1 =	sadd.s32 s1, s30  }
0xbb: {  	s0 =	sor.u32 s3, s0;
	s1 =	sshll.u32 s1, $0x11  }
0xbc: {  	s0 =	sor.u32 s1, s0  }
0xbd: {  	s0 =	sadd.s32 $0x8F2B, s0  }
0xbe: {  	[sflag:s0] =	ssyncadd.remote.s32 $0x1  }
0xbf: {  	_ =	sfence.sel $0xFFFF  }
0xc0: {  	[dreg:$0x0] =	wrdreg $0xFFFFFFFF;
	(pc) =	sbr.abs _section_cstart, $3  }
0xc1: {  	[dreg:$0x1] =	wrdreg $0xFFFFFFFF  }
0xc2: {  	_ =	task.clear_ibuf [dreg:s7], $0x2FFFF;
	_ =	strace $0x9FFFFFFF  }
0xc3: {  	(tm) =	ssettm $0x7FFFFFFF  }
tec
execute0_lowered:
.L_overlay_start_1:
0x0: {  	(tag) =	ssettag $0x1  }
0x1: {  	s7 =	rddreg [dreg:$0x0]  }
0x2: {  	s5 =	rddreg [dreg:$0x1]  }
0x3: {  	s2 =	rddreg [dreg:$0x2]  }
0x4: {  	s0 =	rddreg [dreg:$0x3]  }
0x5: {  	s4 =	srdreg.scid;
	s1 =	stileid.u32  }
0x6: {  	s3 =	simm.s32 $0x0;
	s14 =	simm.s32 $0xFA0;
	s15 =	simm.s32 $0x7D0  }
0x7: {  	s16 =	simm.s32 $0x1;
	s17 =	simm.s32 $0x4;
	s18 =	simm.s32 $0xBB8  }
0x8: {  	s19 =	simm.s32 $0x8CA0;
	s20 =	simm.s32 $0x2;
	s6 =	smul.u32 $0x4E20, s1  }
0x9: {  	s21 =	simm.s32 $0x3;
	s22 =	simm.s32 $0x0;
	s28 =	smul.u32 $0x9C40, s1  }
0xa: {  	s4 =	sand.u32 $0x1, s4;
	[smem:$0x7FF] =	sst s3;
	s30 =	smul.u32 $0x1388, s1  }
0xb: {  	s9 =	sadd.s32 $0xC7200, s5;
	s29 =	sshll.u32 s1, $0x6;
	s8 =	smul.u32 $0x4E200, s4  }
0xc: {  	_ =	strace $0x8000004D;
	s11 =	ssub.s32 $0x2, s4;
	s4 =	sadd.s32 $0x50800, s5  }
0xd: {  	s12 =	sshrl.u32 s11, $0x1;
	s13 =	sadd.s32 s6, s2;
	s10 =	sadd.s32 s6, s8  }
0xe: {  	s11 =	ssub.s32 s11, s12;
	s8 =	sshrl.u32 s8, $0x3;
	s12 =	sshrl.u32 s28, $0x3  }
0xf: {  	s6 =	sadd.s32 s9, s30;
	s10 =	sshrl.u32 s10, $0x3;
	s7 =	sadd.s32 s7, s8  }
0x10: {  	s31 =	sadd.s32 s9, s12;
	s12 =	simm.s32 $0x5;
	s10 =	sadd.s32 s10, s5  }
0x11: {  	s5 =	sor.u32 $0x1C05, s29;
	s8 =	sadd.s32 $0xFA, s31;
	s9 =	sadd.s32 $0x51200, s10  }
0x12: {  	s10 =	smax.u32 s11, $0x1;
	s11 =	sshrl.u32 s13, $0x3;
	s13 =	simm.s32 $0x3E8  }
.LBB2_1:
0x13: {  	[spmem:s11], [sflag:s5] =	dma.local [hbm:s4], $0x9C4  }
0x14: {  	_ =	swait.ge [sflag:s12], $0x9C4  }
0x15: {  	[sflag:s12] =	ssyncset.done $0x0  }
0x16: {  	[sflag:s12] =	ssyncadd.s32 $0xFFFFF63C  }
0x17: {  	[bflag:$0x0] =	sbarrier.arrive $0xFFFF  }
0x18: {  	[tilespmem:s3], [sflag:$0x5] =	stream.linear.gather [hbm4b:s6+s3], $0x7D0, $0x38;
	[tilespmem:$0x157C0] =	vst v63  }
0x19: {  	_ =	swait.ge [sflag:s12], $0x7D0  }
0x1a: {  	[sflag:s12] =	ssyncset.done $0x0  }
0x1b: {  	[sflag:s12] =	ssyncadd.s32 $0xFFFFF830  }
0x1c: {  	[tilespmem:s14], [sflag:$0x1] =	stream.indirect.gather [hbm4b:s7+s13], $0x20, s13, s13, $0xb8;
	[tilespmem:$0x157C0] =	vst v63  }
0x1d: {  	_ = 	snop  }
0x1e: {  	[tilespmem:s15], [sflag:$0x4] =	stream.linear.gather [hbm4b:s8+s3], $0x7D0, $0x38;
	[tilespmem:$0x157C0] =	vst v63  }
0x1f: {  	_ =	swait.ge [sflag:s16], $0x7D00  }
0x20: {  	[sflag:s16] =	ssyncset.done $0x0  }
0x21: {  	[sflag:s16] =	ssyncadd.s32 $0xFFFF8300  }
0x22: {  	_ =	swait.ge [sflag:s17], $0x7D0  }
0x23: {  	[sflag:s17] =	ssyncset.done $0x0  }
0x24: {  	[sflag:s17] =	ssyncadd.s32 $0xFFFFF830  }
0x25: {  	[tilespmem:s19], [sflag:$0x2] =	stream.indirect.gather [hbm4b:s7+s13], $0x20, s18, s13, $0xb8;
	[tilespmem:$0x157C0] =	vst v63  }
0x26: {  	_ = 	snop  }
0x27: {  	[spmem:s2] =	stream.indirect.scatter.add.f32 [tilespmem:s14], [sflag:$0x5], $0x20, s3, s13, $0xb8;
	[tilespmem:$0x157C0] =	vst v63  }
0x28: {  	_ =	swait.ge [sflag:s12], $0x7D00  }
0x29: {  	s24 =	sadd.s32 $0xFFFFEE6C, s6;
	[sflag:s12] =	ssyncset.done $0x0  }
0x2a: {  	s23 =	sadd.s32 $0x1388, s24;
	[sflag:s12] =	ssyncadd.s32 $0xFFFF8300  }
0x2b: {  	[tilespmem:s3], [sflag:$0x3] =	stream.linear.gather [hbm4b:s23+s3], $0x7D0, $0x38;
	[tilespmem:$0x157C0] =	vst v63  }
0x2c: {  	_ =	swait.ge [sflag:s20], $0x7D00  }
0x2d: {  	[sflag:s20] =	ssyncset.done $0x0  }
0x2e: {  	[sflag:s20] =	ssyncadd.s32 $0xFFFF8300  }
0x2f: {  	_ =	swait.ge [sflag:s21], $0x7D0  }
0x30: {  	[sflag:s21] =	ssyncset.done $0x0  }
0x31: {  	[sflag:s21] =	ssyncadd.s32 $0xFFFFF830  }
0x32: {  	[tilespmem:s14], [sflag:$0x1] =	stream.indirect.gather [hbm4b:s7+s13], $0x20, s13, s13, $0xb8;
	[tilespmem:$0x157C0] =	vst v63  }
0x33: {  	_ = 	snop  }
0x34: {  	[spmem:s2] =	stream.indirect.scatter.add.f32 [tilespmem:s19], [sflag:$0x5], $0x20, s15, s13, $0xb8;
	[tilespmem:$0x157C0] =	vst v63  }
0x35: {  	_ =	swait.ge [sflag:s12], $0x7D00  }
0x36: {  	[sflag:s12] =	ssyncset.done $0x0  }
0x37: {  	s24 =	sadd.s32 $0x1482, s24;
	s23 =	simm.s32 $0xFFFFF060;
	[sflag:s12] =	ssyncadd.s32 $0xFFFF8300  }
.LBB2_2:
0x38: {  	[tilespmem:s15], [sflag:$0x4] =	stream.linear.gather [hbm4b:s24+s3], $0x7D0, $0x38;
	[tilespmem:$0x157C0] =	vst v63  }
0x39: {  	s24 =	smov.u32 s23  }
0x3a: {  	p0 =	sne.s32 s23, $0xFFFFFE0C;
	s23 =	sadd.s32 $0x1F4, s23;
	_ =	swait.ge [sflag:s16], $0x7D00  }
0x3b: {  	[sflag:s16] =	ssyncset.done $0x0  }
0x3c: {  	[sflag:s16] =	ssyncadd.s32 $0xFFFF8300  }
0x3d: {  	_ =	swait.ge [sflag:s17], $0x7D0  }
0x3e: {  	[sflag:s17] =	ssyncset.done $0x0  }
0x3f: {  	[sflag:s17] =	ssyncadd.s32 $0xFFFFF830  }
0x40: {  	[tilespmem:s19], [sflag:$0x2] =	stream.indirect.gather [hbm4b:s7+s13], $0x20, s18, s13, $0xb8;
	[tilespmem:$0x157C0] =	vst v63  }
0x41: {  	_ = 	snop  }
0x42: {  	[spmem:s2] =	stream.indirect.scatter.add.f32 [tilespmem:s14], [sflag:$0x5], $0x20, s3, s13, $0xb8;
	[tilespmem:$0x157C0] =	vst v63  }
0x43: {  	_ =	swait.ge [sflag:s12], $0x7D00  }
0x44: {  	s24 =	sadd.s32 s24, s6;
	[sflag:s12] =	ssyncset.done $0x0  }
0x45: {  	s25 =	sadd.s32 $0x1388, s24;
	[sflag:s12] =	ssyncadd.s32 $0xFFFF8300  }
0x46: {  	[tilespmem:s3], [sflag:$0x3] =	stream.linear.gather [hbm4b:s25+s3], $0x7D0, $0x38;
	[tilespmem:$0x157C0] =	vst v63  }
0x47: {  	_ =	swait.ge [sflag:s20], $0x7D00  }
0x48: {  	[sflag:s20] =	ssyncset.done $0x0  }
0x49: {  	[sflag:s20] =	ssyncadd.s32 $0xFFFF8300  }
0x4a: {  	_ =	swait.ge [sflag:s21], $0x7D0  }
0x4b: {  	[sflag:s21] =	ssyncset.done $0x0  }
0x4c: {  	[sflag:s21] =	ssyncadd.s32 $0xFFFFF830  }
0x4d: {  	[tilespmem:s14], [sflag:$0x1] =	stream.indirect.gather [hbm4b:s7+s13], $0x20, s13, s13, $0xb8;
	[tilespmem:$0x157C0] =	vst v63  }
.Ltmp0:
0x4e: {  	(pc) =	sbr.rel @p0 .LBB2_2-.Ltmp0, $4  }
0x4f: {  	[spmem:s2] =	stream.indirect.scatter.add.f32 [tilespmem:s19], [sflag:$0x5], $0x20, s15, s13, $0xb8;
	[tilespmem:$0x157C0] =	vst v63  }
0x50: {  	_ =	swait.ge [sflag:s12], $0x7D00  }
0x51: {  	[sflag:s12] =	ssyncset.done $0x0  }
0x52: {  	s24 =	sadd.s32 $0x1482, s24;
	[sflag:s12] =	ssyncadd.s32 $0xFFFF8300  }
0x53: {  	[tilespmem:s15], [sflag:$0x4] =	stream.linear.gather [hbm4b:s24+s3], $0x7D0, $0x38;
	[tilespmem:$0x157C0] =	vst v63  }
0x54: {  	_ =	swait.ge [sflag:s16], $0x7D00  }
0x55: {  	[sflag:s16] =	ssyncset.done $0x0  }
0x56: {  	[sflag:s16] =	ssyncadd.s32 $0xFFFF8300  }
0x57: {  	_ =	swait.ge [sflag:s17], $0x7D0  }
0x58: {  	[sflag:s17] =	ssyncset.done $0x0  }
0x59: {  	[sflag:s17] =	ssyncadd.s32 $0xFFFFF830  }
0x5a: {  	[tilespmem:s19], [sflag:$0x2] =	stream.indirect.gather [hbm4b:s7+s13], $0x20, s18, s13, $0xb8;
	[tilespmem:$0x157C0] =	vst v63  }
0x5b: {  	_ = 	snop  }
0x5c: {  	[spmem:s2] =	stream.indirect.scatter.add.f32 [tilespmem:s14], [sflag:$0x5], $0x20, s3, s13, $0xb8;
	[tilespmem:$0x157C0] =	vst v63  }
0x5d: {  	_ =	swait.ge [sflag:s12], $0x7D00  }
0x5e: {  	[sflag:s12] =	ssyncset.done $0x0  }
0x5f: {  	[sflag:s12] =	ssyncadd.s32 $0xFFFF8300  }
0x60: {  	_ =	swait.ge [sflag:s20], $0x7D00  }
0x61: {  	[sflag:s20] =	ssyncset.done $0x0  }
0x62: {  	[sflag:s20] =	ssyncadd.s32 $0xFFFF8300  }
0x63: {  	[spmem:s2] =	stream.indirect.scatter.add.f32 [tilespmem:s19], [sflag:$0x5], $0x20, s15, s13, $0xb8;
	[tilespmem:$0x157C0] =	vst v63  }
0x64: {  	_ =	swait.ge [sflag:s12], $0x7D00  }
0x65: {  	s22 =	sadd.s32 $0x1, s22;
	[sflag:s12] =	ssyncset.done $0x0  }
0x66: {  	p0 =	sne.s32 s22, s10;
	[sflag:s12] =	ssyncadd.s32 $0xFFFF8300  }
.Ltmp1:
0x67: {  	[bflag:$0x0] =	sbarrier.arrive $0xFFFF;
	(pc) =	sbr.rel @p0 .LBB2_1-.Ltmp1, $4  }
0x68: {  	[hbm:s9], [sflag:s5] =	dma.local [spmem:s11], $0x9C4  }
0x69: {  	_ =	swait.ge [sflag:s12], $0x9C4  }
0x6a: {  	[sflag:s12] =	ssyncset.done $0x0  }
0x6b: {  	[sflag:s12] =	ssyncadd.s32 $0xFFFFF63C  }
0x6c: {  	_ =	sfence.sel $0x180000  }
0x6d: {  	[bflag:$0x0] =	sbarrier.arrive $0xFFFF  }
0x6e: {  	p0 =	sne.s32 s1, $0x0;
	_ =	strace $0x9000004D  }
0x6f: {  	s0 =	sadd.s32 @!p0 $0x100000, s0;
	[bflag:$0x2] =	sbarrier.arrive $0xFFFF  }
0x70: {  	[sflag:s0] =	ssyncadd.tile.s32 @!p0 $0x1;
	_ =	shalt  }
.Lfunc_end2:
_tile_overlayer_lowered:
.L_overlay_start_2:
0x71: {  	(tag) =	ssettag $0x2  }
0x72: {  	s0 =	rddreg [dreg:$0x0];
	s2 =	stileid.u32  }
0x73: {  	s1 =	rddreg [dreg:$0x1];
	p0 =	sne.s32 s2, $0x0  }
0x74: {  	s3 =	rddreg [dreg:$0x2];
	[bflag:$0x3] =	sbarrier.arrive $0xFFFF;
	s2 =	simm.s32 @!p0 $0x1C05  }
0x75: {  	[timem:s3], [sflag:s2] =	dma.local @!p0 [hbm:s0], s1  }
0x76: {  	s0 =	simm.s32 @!p0 $0x5  }
0x77: {  	_ =	swait.ge @!p0 [sflag:s0], s1  }
0x78: {  	s1 =	ssub.s32 @!p0 $0x0, s1;
	[sflag:s0] =	ssyncset.done @!p0 $0x0  }
0x79: {  	[sflag:s0] =	ssyncadd.s32 @!p0 s1  }
0x7a: {  	[bflag:$0x3] =	sbarrier.arrive $0xFFFF  }
0x7b: {  	_ =	shalt  }

// kernel: kernel.8.cloned.1.call-start
scs
__scs_entry_jumppad:
0x0: {  	(pc) =	sbr.rel $0x88, $3  }
0x1: {  	(tag) =	ssettag $0x0;
	lr =	simm.s32 $0x1  }
0x2: {  	[smem:$0x3F9B] =	sst lr;
	_ =	strace $0xD0000000  }
0x3: {  	_ = 	snop  }
0x4: {  	_ = 	snop  }
0x5: {  	_ = 	snop  }
0x6: {  	_ = 	snop  }
0x7: {  	_ = 	snop  }
__scs_overlays_trampoline_lowered:
0x8: {  	[smem:$0x3FAA] =	sst s0  }
0x9: {  	[smem:$0x3FAB] =	sst s1  }
0xa: {  	[smem:$0x3FAC] =	sst s2  }
0xb: {  	[smem:$0x3FAD] =	sst s3  }
0xc: {  	[smem:$0x3FAE] =	sst s4  }
0xd: {  	[smem:$0x3FAF] =	sst s5  }
0xe: {  	[smem:$0x3FB0] =	sst s6  }
0xf: {  	[smem:$0x3FB1] =	sst s7  }
0x10: {  	[smem:$0x3FB2] =	sst s8  }
0x11: {  	[smem:$0x3FB3] =	sst s9;
	s0 =	simm.s32 @!p0 $0x0  }
0x12: {  	s1 =	sld [smem:$0x3F99];
	s0 =	simm.s32 @p0 $0x1  }
0x13: {  	[smem:$0x3FB4] =	sst s0;
	s0 =	simm.s32 @!p1 $0x0  }
0x14: {  	s2 =	sld [smem:$0x3F98];
	s0 =	simm.s32 @p1 $0x1  }
0x15: {  	[smem:$0x3FB5] =	sst s0;
	s0 =	simm.s32 @!p2 $0x0  }
0x16: {  	s3 =	sld [smem:$0x3FDB];
	s0 =	simm.s32 @p2 $0x1  }
0x17: {  	s4 =	simm.s32 $0x1BF5;
	[smem:$0x3FB7] =	sst s0  }
0x18: {  	s0 =	sld [smem:$0x3F9A];
	_ =	swait.ge [sflag:s4], $0x0  }
0x19: {  	s7 =	sld [smem:$0x3F9B]  }
0x1a: {  	s8 =	sadd.s32 $0xFFFFE003, lr  }
0x1b: {  	s9 =	sadd.s32 $0xFFFFFEF7, lr;
	s5 =	simm.s32 $0xFFFFFFFF;
	p2 =	slt.u32 s8, $0xFFFFF086  }
0x1c: {  	p1 =	slt.u32 s9, $0xF7A;
	s5 =	simm.s32 @!p2 $0x0  }
0x1d: {  	s5 =	simm.s32 @p1 $0x1;
	p0 =	seq.s32 s7, s2  }
0x1e: {  	s7 =	smul.u32 @!p0 $0xF7A, s2;
	p2 =	seq.s32 @!p0 s5, $0x0  }
0x1f: {  	s9 =	smul.u32 $0xF7A, s1;
	s8 =	simm.s32 @!p0 $0x1BF5;
	p2 =	por !p2, p0  }
0x20: {  	[sflag:s8] =	ssyncset.s32 @!p0 $0xFFFFF086;
	s6 =	sadd.s32 @!p0 s3, s7;
	s7 =	simm.s32 @!p0 $0x108  }
0x21: {  	s3 =	sadd.s32 s3, s9;
	s6 =	sadd.s32 @!p0 $0x88, s6;
	s7 =	simm.s32 @p2 $0x1082  }
0x22: {  	[simem:s7], [sflag:s8] =	dma.local @!p0 [hbm:s6], $0xF7A  }
0x23: {  	s9 =	sor.u32 $0xD0000000, s2;
	s6 =	simm.s32 $0x108;
	_ =	swait.ge @!p0 [sflag:s8], $0x0  }
0x24: {  	s3 =	sadd.s32 $0x88, s3;
	s6 =	simm.s32 @!p1 $0x1082;
	[sflag:s4] =	ssyncset.s32 $0xFFFFF086  }
0x25: {  	[simem:s6], [sflag:s4] =	dma.local [hbm:s3], $0xF7A  }
0x26: {  	[smem:$0x3F9B] =	sst s1;
	(tag) =	ssettag s2;
	_ =	strace s9  }
0x27: {  	s1 =	sld [smem:$0x3FAB]  }
0x28: {  	s2 =	sld [smem:$0x3FAC]  }
0x29: {  	s4 =	sld [smem:$0x3FAE]  }
0x2a: {  	p0 =	seq.s32 s5, $0x0;
	s5 =	sld [smem:$0x3FAF]  }
0x2b: {  	s6 =	sld [smem:$0x3FB0]  }
0x2c: {  	s7 =	sld [smem:$0x3FB1]  }
0x2d: {  	s3 =	simm.s32 $0x108;
	s8 =	sld [smem:$0x3FB2]  }
0x2e: {  	s3 =	simm.s32 @!p0 $0x1082;
	s9 =	sld [smem:$0x3FB3]  }
0x2f: {  	lr =	sadd.s32 s0, s3;
	s0 =	sld [smem:$0x3FAA]  }
0x30: {  	s3 =	sld [smem:$0x3FAD]  }
0x31: {  	[smem:$0x3FB6] =	sst s10  }
0x32: {  	s10 =	sld [smem:$0x3FB4];
	_ =	sdelay $0x3  }
0x33: {  	p0 =	seq.s32 s10, $0x1;
	s10 =	sld [smem:$0x3FB6];
	_ =	sdelay $0x3  }
0x34: {  	[smem:$0x3FB6] =	sst s10  }
0x35: {  	s10 =	sld [smem:$0x3FB5];
	_ =	sdelay $0x3  }
0x36: {  	p1 =	seq.s32 s10, $0x1;
	s10 =	sld [smem:$0x3FB6];
	_ =	sdelay $0x3  }
0x37: {  	[smem:$0x3FB6] =	sst s10  }
0x38: {  	s10 =	sld [smem:$0x3FB7]  }
0x39: {  	_ = 	snop;
	(pc) =	sbr.ind lr, $3  }
0x3a: {  	_ = 	snop  }
0x3b: {  	_ = 	snop  }
0x3c: {  	p2 =	seq.s32 s10, $0x1;
	s10 =	sld [smem:$0x3FB6]  }
0x3d: {  	_ =	shalt  }
0x3e: {  	_ =	shalt  }
0x3f: {  	_ =	shalt  }
0x40: {  	_ =	shalt  }
0x41: {  	_ =	shalt  }
0x42: {  	_ =	shalt  }
0x43: {  	_ =	shalt  }
0x44: {  	_ =	shalt  }
0x45: {  	_ =	shalt  }
0x46: {  	_ =	shalt  }
0x47: {  	_ =	shalt  }
0x48: {  	_ =	shalt  }
0x49: {  	_ =	shalt  }
0x4a: {  	_ =	shalt  }
0x4b: {  	_ =	shalt  }
0x4c: {  	_ =	shalt  }
0x4d: {  	_ =	shalt  }
0x4e: {  	_ =	shalt  }
0x4f: {  	_ =	shalt  }
0x50: {  	_ =	shalt  }
0x51: {  	_ =	shalt  }
0x52: {  	_ =	shalt  }
0x53: {  	_ =	shalt  }
0x54: {  	_ =	shalt  }
0x55: {  	_ =	shalt  }
0x56: {  	_ =	shalt  }
0x57: {  	_ =	shalt  }
0x58: {  	_ =	shalt  }
0x59: {  	_ =	shalt  }
0x5a: {  	_ =	shalt  }
0x5b: {  	_ =	shalt  }
0x5c: {  	_ =	shalt  }
0x5d: {  	_ =	shalt  }
0x5e: {  	_ =	shalt  }
0x5f: {  	_ =	shalt  }
0x60: {  	_ =	shalt  }
0x61: {  	_ =	shalt  }
0x62: {  	_ =	shalt  }
0x63: {  	_ =	shalt  }
0x64: {  	_ =	shalt  }
0x65: {  	_ =	shalt  }
0x66: {  	_ =	shalt  }
0x67: {  	_ =	shalt  }
0x68: {  	_ =	shalt  }
0x69: {  	_ =	shalt  }
0x6a: {  	_ =	shalt  }
0x6b: {  	_ =	shalt  }
0x6c: {  	_ =	shalt  }
0x6d: {  	_ =	shalt  }
0x6e: {  	_ =	shalt  }
0x6f: {  	_ =	shalt  }
0x70: {  	_ =	shalt  }
0x71: {  	_ =	shalt  }
0x72: {  	_ =	shalt  }
0x73: {  	_ =	shalt  }
0x74: {  	_ =	shalt  }
0x75: {  	_ =	shalt  }
0x76: {  	_ =	shalt  }
0x77: {  	_ =	shalt  }
0x78: {  	_ =	shalt  }
0x79: {  	_ =	shalt  }
0x7a: {  	_ =	shalt  }
0x7b: {  	_ =	shalt  }
0x7c: {  	_ =	shalt  }
0x7d: {  	_ =	shalt  }
0x7e: {  	_ =	shalt  }
0x7f: {  	_ =	shalt  }
0x80: {  	_ =	shalt  }
0x81: {  	_ =	shalt  }
0x82: {  	_ =	shalt  }
0x83: {  	_ =	shalt  }
0x84: {  	_ =	shalt  }
0x85: {  	_ =	shalt  }
0x86: {  	_ =	shalt  }
0x87: {  	_ =	shalt  }
.Lfunc_end0:
.L_simem_size_0:
called_computation_lowered:
.L_overlay_start_0:
0x88: {  	s2 =	sld [smem:$0x3FD9]  }
0x89: {  	s3 =	sld [smem:$0x3FFE];
	_ =	sdelay $0x1  }
0x8a: {  	s1 =	srdreg.scid  }
0x8b: {  	s0 =	sand.u32 $0x1, s1  }
0x8c: {  	s16 =	sshll.u32 s0, $0xA;
	s2 =	sadd.s32 s3, s2  }
0x8d: {  	s2 =	sadd.s32 s2, s16  }
0x8e: {  	[smem:$0x3FC2] =	sst s2  }
0x8f: {  	_ = 	snop  }
0x90: {  	(tm) =	ssettm $0x1  }
0x91: {  	s17 =	sld [smem:$0x3FFB];
	_ =	sdelay $0x3  }
0x92: {  	_ =	strace s17  }
0x93: {  	s2 =	sld [smem:$0x3FFC];
	_ =	sdelay $0x3  }
0x94: {  	_ =	strace s2  }
0x95: {  	s2 =	sld [smem:$0x3FFD];
	_ =	sdelay $0x3  }
0x96: {  	_ =	strace s2  }
0x97: {  	_ =	strace $0x8FFFFFFF  }
0x98: {  	s18 =	sld [smem:$0x3FDB];
	_ =	sdelay $0x1  }
0x99: {  	s19 =	simm.s32 $_scs_section_size  }
0x9a: {  	s4 =	simm.s32 $_size__tile_overlayer_lowered;
	s5 =	simm.s32 $_tile_overlayer_lowered  }
0x9b: {  	s22 =	simm.s32 $0x1BFF;
	s21 =	sshll.u32 s5, $0x1;
	s2 =	sadd.s32 s19, s18  }
0x9c: {  	s6 =	simm.s32 $0x0;
	s20 =	sshll.u32 s4, $0x1;
	s4 =	sadd.s32 s21, s2  }
0x9d: {  	[timem:s6], [sflag:s22] =	dma.local [hbm:s4], s20  }
0x9e: {  	_ =	swait.ge [sflag:s22], s20  }
0x9f: {  	s3 =	ssub.s32 $0x0, s20;
	[sflag:s22] =	ssyncset.done $0x0  }
0xa0: {  	[sflag:s22] =	ssyncadd.s32 s3;
	_ =	sdelay $0x1  }
0xa1: {  	s23 =	simm.s32 $0x1B8B  }
0xa2: {  	_ =	swait.ge [sflag:s23], $0x1  }
0xa3: {  	[sflag:s23] =	ssyncset.done $0x0  }
0xa4: {  	s25 =	simm.s32 $0x1B8E;
	s24 =	sld [smem:$0x3FFE];
	[sflag:s23] =	ssyncadd.s32 $0xFFFFFFFF  }
0xa5: {  	s26 =	simm.s32 $execute0_lowered;
	[smem:$0x3FD2] =	sst s25  }
0xa6: {  	s4 =	sshll.u32 s26, $0x1;
	_ =	strace $0x80000046;
	[dreg:$0x1] =	wrdreg $0xFFFFFFFF  }
0xa7: {  	s28 =	simm.s32 $_size_execute0_lowered;
	s2 =	sadd.s32 s2, s4;
	[dreg:$0x0] =	wrdreg $0x0  }
0xa8: {  	s4 =	sshll.u32 s28, $0x1;
	[dreg:$0x2] =	wrdreg s2  }
0xa9: {  	[dreg:$0x3] =	wrdreg s4  }
0xaa: {  	[dreg:$0x4] =	wrdreg $0xC0  }
0xab: {  	_ =	task [dreg:s6], $0x5FFFF  }
0xac: {  	[dreg:$0x1] =	wrdreg $0xFFFFFFFF  }
0xad: {  	[dreg:$0x0] =	wrdreg $0x60  }
0xae: {  	[dreg:$0x2] =	wrdreg s24  }
0xaf: {  	[dreg:$0x3] =	wrdreg $0x65900  }
0xb0: {  	[dreg:$0x4] =	wrdreg $0x9  }
0xb1: {  	_ =	task.clear_ibuf [dreg:s6], $0x5FFFF;
	_ =	strace $0x90000046  }
0xb2: {  	s29 =	simm.s32 $0x9;
	_ =	strace $0x80000048  }
0xb3: {  	_ =	swait.ge [sflag:s29], $0x1  }
0xb4: {  	[sflag:s29] =	ssyncadd.s32 $0xFFFFFFFF  }
0xb5: {  	_ =	strace $0x90000048  }
0xb6: {  	_ =	sfence  }
0xb7: {  	s30 =	sld [smem:$0x0];
	_ =	sdelay $0x2  }
0xb8: {  	s31 =	sshll.u32 s1, $0xD;
	s1 =	sshrl.u32 s1, $0x2  }
0xb9: {  	s3 =	sand.u32 $0x4000, s31;
	s1 =	sadd.s32 s1, s30  }
0xba: {  	s0 =	sor.u32 s3, s0;
	s1 =	sshll.u32 s1, $0x11  }
0xbb: {  	s0 =	sor.u32 s1, s0  }
0xbc: {  	s0 =	sadd.s32 $0x8F2B, s0  }
0xbd: {  	[sflag:s0] =	ssyncadd.remote.s32 $0x1  }
0xbe: {  	_ =	sfence.sel $0xFFFF  }
0xbf: {  	[dreg:$0x0] =	wrdreg $0xFFFFFFFF;
	(pc) =	sbr.abs _section_cstart, $3  }
0xc0: {  	[dreg:$0x1] =	wrdreg $0xFFFFFFFF  }
0xc1: {  	_ =	task.clear_ibuf [dreg:s6], $0x2FFFF;
	_ =	strace $0x9FFFFFFF  }
0xc2: {  	(tm) =	ssettm $0x7FFFFFFF  }
0xc3: {  	_ =	shalt  }
tec
execute0_lowered:
.L_overlay_start_1:
0x0: {  	(tag) =	ssettag $0x1  }
0x1: {  	s0 =	srdreg.scid  }
0x2: {  	s21 =	sand.u32 $0x1, s0  }
0x3: {  	s0 =	stileid.u32;
	s1 =	sshll.u32 s21, $0x4  }
0x4: {  	s20 =	rddreg [dreg:$0x0];
	s1 =	sor.u32 s0, s1  }
0x5: {  	s2 =	rddreg [dreg:$0x1];
	s3 =	simm.s32 $0x0;
	s4 =	smul.u32 $0x4E2, s1  }
0x6: {  	[smem:$0x7FF] =	sst s3  }
0x7: {  	s1 =	rddreg [dreg:$0x2];
	s4 =	sadd.s32 s4, s20  }
0x8: {  	_ =	strace $0x80000047;
	s5 =	sadd.s32 $0x2600, s4;
	s4 =	simm.s32 $0x1  }
0x9: {  	[tilespmem:s3], [sflag:$0x1] =	stream.linear.gather [hbm4b:s5+s3], $0x2710, $0x38;
	[tilespmem:$0x8CA0] =	vst v63  }
0xa: {  	_ =	swait.ge [sflag:s4], $0x2710  }
0xb: {  	s7 =	simm.s32 $0x2710;
	[sflag:s4] =	ssyncset.done $0x0  }
0xc: {  	s6 =	sadd.s32 $0xC400, s20;
	s22 =	smul.u32 $0x2710, s0;
	[sflag:s4] =	ssyncadd.s32 $0xFFFFD8F0  }
0xd: {  	[tilespmem:s7], [sflag:$0x1] =	stream.linear.gather [hbm4b:s6+s3], $0x3E80, $0x38;
	[tilespmem:$0x8CA0] =	vst v63  }
0xe: {  	s8 =	sadd.s32 $0xCC00, s20;
	_ =	swait.ge [sflag:s4], $0x3E80  }
0xf: {  	s9 =	sshll.u32 s0, $0x6;
	s10 =	sadd.s32 s22, s2;
	[sflag:s4] =	ssyncset.done $0x0  }
0x10: {  	s9 =	sor.u32 $0x1C01, s9;
	s10 =	sshrl.u32 s10, $0x3;
	[sflag:s4] =	ssyncadd.s32 $0xFFFFC180  }
0x11: {  	[spmem:s10], [sflag:s9] =	dma.local [hbm:s8], $0x4E2  }
0x12: {  	_ =	swait.ge [sflag:s4], $0x4E2  }
0x13: {  	[sflag:s4] =	ssyncset.done $0x0  }
0x14: {  	[sflag:s4] =	ssyncadd.s32 $0xFFFFFB1E  }
0x15: {  	s11 =	simm.s32 $0x3E8;
	[bflag:$0x0] =	sbarrier.arrive $0xFFFF  }
0x16: {  	[spmem:s2] =	stream.indirect.scatter.add.f32 [tilespmem:s7], [sflag:$0x1], $0x10, s3, s11, $0xb8;
	[tilespmem:$0x8CA0] =	vst v63  }
0x17: {  	_ =	swait.ge [sflag:s4], $0x3E80  }
0x18: {  	[sflag:s4] =	ssyncset.done $0x0  }
0x19: {  	[sflag:s4] =	ssyncadd.s32 $0xFFFFC180  }
0x1a: {  	[spmem:s2] =	stream.indirect.scatter.add.f32 [tilespmem:s7], [sflag:$0x1], $0x10, s11, s11, $0xb8;
	[tilespmem:$0x8CA0] =	vst v63  }
0x1b: {  	_ =	swait.ge [sflag:s4], $0x3E80  }
0x1c: {  	[sflag:s4] =	ssyncset.done $0x0  }
0x1d: {  	s12 =	simm.s32 $0x7D0;
	[sflag:s4] =	ssyncadd.s32 $0xFFFFC180  }
0x1e: {  	[spmem:s2] =	stream.indirect.scatter.add.f32 [tilespmem:s7], [sflag:$0x1], $0x10, s12, s11, $0xb8;
	[tilespmem:$0x8CA0] =	vst v63  }
0x1f: {  	_ =	swait.ge [sflag:s4], $0x3E80  }
0x20: {  	[sflag:s4] =	ssyncset.done $0x0  }
0x21: {  	s13 =	simm.s32 $0xBB8;
	[sflag:s4] =	ssyncadd.s32 $0xFFFFC180  }
0x22: {  	[spmem:s2] =	stream.indirect.scatter.add.f32 [tilespmem:s7], [sflag:$0x1], $0x10, s13, s11, $0xb8;
	[tilespmem:$0x8CA0] =	vst v63  }
0x23: {  	_ =	swait.ge [sflag:s4], $0x3E80  }
0x24: {  	[sflag:s4] =	ssyncset.done $0x0  }
0x25: {  	s14 =	simm.s32 $0xFA0;
	[sflag:s4] =	ssyncadd.s32 $0xFFFFC180  }
0x26: {  	[spmem:s2] =	stream.indirect.scatter.add.f32 [tilespmem:s7], [sflag:$0x1], $0x10, s14, s11, $0xb8;
	[tilespmem:$0x8CA0] =	vst v63  }
0x27: {  	_ =	swait.ge [sflag:s4], $0x3E80  }
0x28: {  	[sflag:s4] =	ssyncset.done $0x0  }
0x29: {  	s15 =	simm.s32 $0x1388;
	[sflag:s4] =	ssyncadd.s32 $0xFFFFC180  }
0x2a: {  	[spmem:s2] =	stream.indirect.scatter.add.f32 [tilespmem:s7], [sflag:$0x1], $0x10, s15, s11, $0xb8;
	[tilespmem:$0x8CA0] =	vst v63  }
0x2b: {  	_ =	swait.ge [sflag:s4], $0x3E80  }
0x2c: {  	[sflag:s4] =	ssyncset.done $0x0  }
0x2d: {  	s16 =	simm.s32 $0x1770;
	[sflag:s4] =	ssyncadd.s32 $0xFFFFC180  }
0x2e: {  	[spmem:s2] =	stream.indirect.scatter.add.f32 [tilespmem:s7], [sflag:$0x1], $0x10, s16, s11, $0xb8;
	[tilespmem:$0x8CA0] =	vst v63  }
0x2f: {  	_ =	swait.ge [sflag:s4], $0x3E80  }
0x30: {  	[sflag:s4] =	ssyncset.done $0x0  }
0x31: {  	s17 =	simm.s32 $0x1B58;
	[sflag:s4] =	ssyncadd.s32 $0xFFFFC180  }
0x32: {  	[spmem:s2] =	stream.indirect.scatter.add.f32 [tilespmem:s7], [sflag:$0x1], $0x10, s17, s11, $0xb8;
	[tilespmem:$0x8CA0] =	vst v63  }
0x33: {  	_ =	swait.ge [sflag:s4], $0x3E80  }
0x34: {  	[sflag:s4] =	ssyncset.done $0x0  }
0x35: {  	s18 =	simm.s32 $0x1F40;
	[sflag:s4] =	ssyncadd.s32 $0xFFFFC180  }
0x36: {  	[spmem:s2] =	stream.indirect.scatter.add.f32 [tilespmem:s7], [sflag:$0x1], $0x10, s18, s11, $0xb8;
	[tilespmem:$0x8CA0] =	vst v63  }
0x37: {  	s23 =	smul.u32 $0x27100, s21;
	s21 =	ssub.s32 $0x2, s21;
	_ =	swait.ge [sflag:s4], $0x3E80  }
0x38: {  	s31 =	sshrl.u32 s21, $0x1;
	[sflag:s4] =	ssyncset.done $0x0  }
0x39: {  	s19 =	simm.s32 $0x2328;
	s21 =	ssub.s32 s21, s31;
	[sflag:s4] =	ssyncadd.s32 $0xFFFFC180  }
0x3a: {  	[spmem:s2] =	stream.indirect.scatter.add.f32 [tilespmem:s7], [sflag:$0x1], $0x10, s19, s11, $0xb8;
	[tilespmem:$0x8CA0] =	vst v63  }
0x3b: {  	s22 =	sadd.s32 s22, s23;
	s21 =	smax.u32 s21, $0x1;
	_ =	swait.ge [sflag:s4], $0x3E80  }
0x3c: {  	s22 =	sshrl.u32 s22, $0x3;
	p0 =	sne.s32 s21, $0x1;
	[sflag:s4] =	ssyncset.done $0x0  }
.Ltmp0:
0x3d: {  	s20 =	sadd.s32 s22, s20;
	[sflag:s4] =	ssyncadd.s32 $0xFFFFC180;
	(pc) =	sbr.rel @!p0 .LBB2_2-.Ltmp0, $4  }
0x3e: {  	s20 =	sadd.s32 $0xD200, s20;
	[bflag:$0x0] =	sbarrier.arrive $0xFFFF  }
0x3f: {  	[hbm:s20], [sflag:s9] =	dma.local [spmem:s10], $0x4E2  }
0x40: {  	_ =	swait.ge [sflag:s4], $0x4E2  }
0x41: {  	s21 =	sadd.s32 $0xFFFFFFFF, s21;
	[sflag:s4] =	ssyncset.done $0x0  }
.LBB2_1:
0x42: {  	p0 =	sne.s32 s21, $0x1;
	s21 =	sadd.s32 $0xFFFFFFFF, s21;
	[sflag:s4] =	ssyncadd.s32 $0xFFFFFB1E  }
0x43: {  	[tilespmem:s3], [sflag:$0x1] =	stream.linear.gather [hbm4b:s5+s3], $0x2710, $0x38;
	[tilespmem:$0x8CA0] =	vst v63  }
0x44: {  	_ =	swait.ge [sflag:s4], $0x2710  }
0x45: {  	[sflag:s4] =	ssyncset.done $0x0  }
0x46: {  	[sflag:s4] =	ssyncadd.s32 $0xFFFFD8F0  }
0x47: {  	[tilespmem:s7], [sflag:$0x1] =	stream.linear.gather [hbm4b:s6+s3], $0x3E80, $0x38;
	[tilespmem:$0x8CA0] =	vst v63  }
0x48: {  	_ =	swait.ge [sflag:s4], $0x3E80  }
0x49: {  	[sflag:s4] =	ssyncset.done $0x0  }
0x4a: {  	[sflag:s4] =	ssyncadd.s32 $0xFFFFC180  }
0x4b: {  	[spmem:s10], [sflag:s9] =	dma.local [hbm:s8], $0x4E2  }
0x4c: {  	_ =	swait.ge [sflag:s4], $0x4E2  }
0x4d: {  	[sflag:s4] =	ssyncset.done $0x0  }
0x4e: {  	[sflag:s4] =	ssyncadd.s32 $0xFFFFFB1E  }
0x4f: {  	[bflag:$0x0] =	sbarrier.arrive $0xFFFF  }
0x50: {  	[spmem:s2] =	stream.indirect.scatter.add.f32 [tilespmem:s7], [sflag:$0x1], $0x10, s3, s11, $0xb8;
	[tilespmem:$0x8CA0] =	vst v63  }
0x51: {  	_ =	swait.ge [sflag:s4], $0x3E80  }
0x52: {  	[sflag:s4] =	ssyncset.done $0x0  }
0x53: {  	[sflag:s4] =	ssyncadd.s32 $0xFFFFC180  }
0x54: {  	[spmem:s2] =	stream.indirect.scatter.add.f32 [tilespmem:s7], [sflag:$0x1], $0x10, s11, s11, $0xb8;
	[tilespmem:$0x8CA0] =	vst v63  }
0x55: {  	_ =	swait.ge [sflag:s4], $0x3E80  }
0x56: {  	[sflag:s4] =	ssyncset.done $0x0  }
0x57: {  	[sflag:s4] =	ssyncadd.s32 $0xFFFFC180  }
0x58: {  	[spmem:s2] =	stream.indirect.scatter.add.f32 [tilespmem:s7], [sflag:$0x1], $0x10, s12, s11, $0xb8;
	[tilespmem:$0x8CA0] =	vst v63  }
0x59: {  	_ =	swait.ge [sflag:s4], $0x3E80  }
0x5a: {  	[sflag:s4] =	ssyncset.done $0x0  }
0x5b: {  	[sflag:s4] =	ssyncadd.s32 $0xFFFFC180  }
0x5c: {  	[spmem:s2] =	stream.indirect.scatter.add.f32 [tilespmem:s7], [sflag:$0x1], $0x10, s13, s11, $0xb8;
	[tilespmem:$0x8CA0] =	vst v63  }
0x5d: {  	_ =	swait.ge [sflag:s4], $0x3E80  }
0x5e: {  	[sflag:s4] =	ssyncset.done $0x0  }
0x5f: {  	[sflag:s4] =	ssyncadd.s32 $0xFFFFC180  }
0x60: {  	[spmem:s2] =	stream.indirect.scatter.add.f32 [tilespmem:s7], [sflag:$0x1], $0x10, s14, s11, $0xb8;
	[tilespmem:$0x8CA0] =	vst v63  }
0x61: {  	_ =	swait.ge [sflag:s4], $0x3E80  }
0x62: {  	[sflag:s4] =	ssyncset.done $0x0  }
0x63: {  	[sflag:s4] =	ssyncadd.s32 $0xFFFFC180  }
0x64: {  	[spmem:s2] =	stream.indirect.scatter.add.f32 [tilespmem:s7], [sflag:$0x1], $0x10, s15, s11, $0xb8;
	[tilespmem:$0x8CA0] =	vst v63  }
0x65: {  	_ =	swait.ge [sflag:s4], $0x3E80  }
0x66: {  	[sflag:s4] =	ssyncset.done $0x0  }
0x67: {  	[sflag:s4] =	ssyncadd.s32 $0xFFFFC180  }
0x68: {  	[spmem:s2] =	stream.indirect.scatter.add.f32 [tilespmem:s7], [sflag:$0x1], $0x10, s16, s11, $0xb8;
	[tilespmem:$0x8CA0] =	vst v63  }
0x69: {  	_ =	swait.ge [sflag:s4], $0x3E80  }
0x6a: {  	[sflag:s4] =	ssyncset.done $0x0  }
0x6b: {  	[sflag:s4] =	ssyncadd.s32 $0xFFFFC180  }
0x6c: {  	[spmem:s2] =	stream.indirect.scatter.add.f32 [tilespmem:s7], [sflag:$0x1], $0x10, s17, s11, $0xb8;
	[tilespmem:$0x8CA0] =	vst v63  }
0x6d: {  	_ =	swait.ge [sflag:s4], $0x3E80  }
0x6e: {  	[sflag:s4] =	ssyncset.done $0x0  }
0x6f: {  	[sflag:s4] =	ssyncadd.s32 $0xFFFFC180  }
0x70: {  	[spmem:s2] =	stream.indirect.scatter.add.f32 [tilespmem:s7], [sflag:$0x1], $0x10, s18, s11, $0xb8;
	[tilespmem:$0x8CA0] =	vst v63  }
0x71: {  	_ =	swait.ge [sflag:s4], $0x3E80  }
0x72: {  	[sflag:s4] =	ssyncset.done $0x0  }
0x73: {  	[sflag:s4] =	ssyncadd.s32 $0xFFFFC180  }
0x74: {  	[spmem:s2] =	stream.indirect.scatter.add.f32 [tilespmem:s7], [sflag:$0x1], $0x10, s19, s11, $0xb8;
	[tilespmem:$0x8CA0] =	vst v63  }
0x75: {  	_ =	swait.ge [sflag:s4], $0x3E80  }
0x76: {  	[sflag:s4] =	ssyncset.done $0x0  }
.Ltmp1:
0x77: {  	[sflag:s4] =	ssyncadd.s32 $0xFFFFC180;
	(pc) =	sbr.rel @p0 .LBB2_1-.Ltmp1, $4  }
0x78: {  	[bflag:$0x0] =	sbarrier.arrive $0xFFFF  }
0x79: {  	[hbm:s20], [sflag:s9] =	dma.local [spmem:s10], $0x4E2  }
0x7a: {  	_ =	swait.ge [sflag:s4], $0x4E2  }
0x7b: {  	[sflag:s4] =	ssyncset.done $0x0  }
.LBB2_2:
0x7c: {  	[sflag:s4] =	ssyncadd.s32 $0xFFFFFB1E  }
0x7d: {  	_ =	sfence.sel $0x180000  }
0x7e: {  	[bflag:$0x0] =	sbarrier.arrive $0xFFFF  }
0x7f: {  	p0 =	sne.s32 s0, $0x0;
	_ =	strace $0x90000047  }
0x80: {  	s0 =	sadd.s32 @!p0 $0x100000, s1;
	[bflag:$0x2] =	sbarrier.arrive $0xFFFF  }
0x81: {  	[sflag:s0] =	ssyncadd.tile.s32 @!p0 $0x1;
	_ =	shalt  }
.Lfunc_end2:
_tile_overlayer_lowered:
.L_overlay_start_2:
0x82: {  	(tag) =	ssettag $0x2  }
0x83: {  	s0 =	rddreg [dreg:$0x0];
	s2 =	stileid.u32  }
0x84: {  	s1 =	rddreg [dreg:$0x1];
	p0 =	sne.s32 s2, $0x0  }
0x85: {  	s3 =	rddreg [dreg:$0x2];
	[bflag:$0x3] =	sbarrier.arrive $0xFFFF;
	s2 =	simm.s32 @!p0 $0x1C01  }
0x86: {  	[timem:s3], [sflag:s2] =	dma.local @!p0 [hbm:s0], s1  }
0x87: {  	s0 =	simm.s32 @!p0 $0x1  }
0x88: {  	_ =	swait.ge @!p0 [sflag:s0], s1  }
0x89: {  	s1 =	ssub.s32 @!p0 $0x0, s1;
	[sflag:s0] =	ssyncset.done @!p0 $0x0  }
0x8a: {  	[sflag:s0] =	ssyncadd.s32 @!p0 s1  }
0x8b: {  	[bflag:$0x3] =	sbarrier.arrive $0xFFFF  }
0x8c: {  	_ =	shalt  }

</sc_bundles>
